<compile_context>
chip_gen: v7x
topology: tpu7x:2x2x1
jax: 0.10.2.dev20260603
libtpu: 0.0.44.dev20260713+nightly
codegen_flags: <defaults>
</compile_context>

<pallas_src>
import functools

import jax
import jax.numpy as jnp
from jax import lax
from jax.experimental import pallas as pl
from jax.experimental.pallas import tpu as pltpu
from jax.experimental.pallas import tpu_sc as plsc

N = 10000
E = 320000
DIN = 128
H = 64
G = 32

NPAD = 10240
BLK = 1024
NBLK = NPAD // BLK
ROWS_PER_TILE = NPAD // 16
NC = 2
NS = 16
NW = NC * NS
CB = 128
CHUNKS = 80
NCHUNKS = NW * CHUNKS
CF = 108
CS = 52
EPAD = NCHUNKS * CB
DUMMY_DST = N



def _sc_agg_body(with_deg, fast_core, *refs):
    if with_deg:
        (p_hbm, src3, dst3, zbig, zsm, ones_hbm,
         agg_out, deg_out,
         src_v, dst_v, rows_v, ones_v, sem,
         sh_agg, sh_deg) = refs
    else:
        (p_hbm, src3, dst3, zbig,
         agg_out,
         src_v, dst_v, rows_v, sem,
         sh_agg) = refs

    cid = lax.axis_index("c")
    sid = lax.axis_index("s")
    is_fast = cid == fast_core
    nchunks = jnp.where(is_fast, CF, CS)
    start = jnp.where(is_fast, sid * CF, 16 * CF + sid * CS)

    base = sid * ROWS_PER_TILE
    pltpu.sync_copy(zbig.at[pl.ds(base, ROWS_PER_TILE)],
                    sh_agg.at[pl.ds(base, ROWS_PER_TILE)])
    if with_deg:
        pltpu.sync_copy(zsm.at[pl.ds(base, ROWS_PER_TILE)],
                        sh_deg.at[pl.ds(base, ROWS_PER_TILE)])
        pltpu.sync_copy(ones_hbm, ones_v)

    pltpu.sync_copy(src3.at[pl.ds(start, CF)], src_v)
    pltpu.sync_copy(dst3.at[pl.ds(start, CF)], dst_v)
    plsc.subcore_barrier()

    def step(g, carry):
        pltpu.async_copy(p_hbm.at[src_v.at[g]], rows_v, sem).wait()
        pltpu.sync_copy(rows_v, sh_agg.at[dst_v.at[g]], add=True)
        if with_deg:
            pltpu.sync_copy(ones_v, sh_deg.at[dst_v.at[g]], add=True)
        return carry

    lax.fori_loop(0, nchunks, step, 0)
    plsc.subcore_barrier()

    pltpu.sync_copy(sh_agg.at[pl.ds(base, ROWS_PER_TILE)],
                    agg_out.at[cid, pl.ds(base, ROWS_PER_TILE)])
    if with_deg:
        pltpu.sync_copy(sh_deg.at[pl.ds(base, ROWS_PER_TILE)],
                        deg_out.at[cid, pl.ds(base, ROWS_PER_TILE)])


def _make_sc_agg(with_deg, fast_core):
    mesh = plsc.VectorSubcoreMesh(core_axis_name="c", subcore_axis_name="s")
    if with_deg:
        out_type = (jax.ShapeDtypeStruct((NC, NPAD, H), jnp.float32),
                    jax.ShapeDtypeStruct((NC, NPAD, 16), jnp.float32))
        scratch = [
            pltpu.VMEM((CF, CB), jnp.int32),
            pltpu.VMEM((CF, CB), jnp.int32),
            pltpu.VMEM((CB, H), jnp.float32),
            pltpu.VMEM((CB, 16), jnp.float32),
            pltpu.SemaphoreType.DMA,
            pltpu.VMEM_SHARED((NPAD, H), jnp.float32),
            pltpu.VMEM_SHARED((NPAD, 16), jnp.float32),
        ]
    else:
        out_type = jax.ShapeDtypeStruct((NC, NPAD, H), jnp.float32)
        scratch = [
            pltpu.VMEM((CF, CB), jnp.int32),
            pltpu.VMEM((CF, CB), jnp.int32),
            pltpu.VMEM((CB, H), jnp.float32),
            pltpu.SemaphoreType.DMA,
            pltpu.VMEM_SHARED((NPAD, H), jnp.float32),
        ]
    return pl.kernel(
        functools.partial(_sc_agg_body, with_deg, fast_core),
        out_type=out_type,
        mesh=mesh,
        scratch_types=scratch,
        compiler_params=pltpu.CompilerParams(use_tc_tiling_on_sc=False),
    )





def _mm_body(x_ref, w_ref, p_ref, y_ref):
    r = jnp.dot(x_ref[...], w_ref[...], preferred_element_type=jnp.float32)
    p_ref[...] = r[:, :H]
    y_ref[...] = r[:, H:]


def _mid_body(agg_ref, deg_ref, y_ref, b_ref, w_ref, p_ref, y2_ref):
    aggs = agg_ref[0] + agg_ref[1]
    deg = deg_ref[0, :, 0:1] + deg_ref[1, :, 0:1]
    invd = 1.0 / jnp.maximum(deg, 1.0)
    h = jnp.maximum(aggs * invd + b_ref[...] + y_ref[...], 0.0)
    r = jnp.dot(h, w_ref[...], preferred_element_type=jnp.float32)
    p_ref[...] = r[:, :H]
    y2_ref[...] = r[:, H:]


def _pool_body(agg_ref, deg_ref, y_ref, b_ref, batch_ref, wh_ref, bh_ref,
               out_ref, acc_s, acc_c):
    i = pl.program_id(0)
    aggs = agg_ref[0] + agg_ref[1]
    deg = deg_ref[0, :, 0:1] + deg_ref[1, :, 0:1]
    invd = 1.0 / jnp.maximum(deg, 1.0)
    h = aggs * invd + b_ref[...] + y_ref[...]
    bt = batch_ref[0, 0, :]
    onehot = (bt[:, None] == lax.broadcasted_iota(jnp.int32, (1, G), 1)
              ).astype(jnp.float32)
    hi = h.astype(jnp.bfloat16).astype(jnp.float32)
    lo = h - hi
    dims = (((0,), (0,)), ((), ()))
    ps = (lax.dot_general(onehot, hi, dims,
                          preferred_element_type=jnp.float32)
          + lax.dot_general(onehot, lo, dims,
                            preferred_element_type=jnp.float32))
    cs = lax.dot_general(onehot, jnp.ones((BLK, 1), jnp.float32), dims,
                         preferred_element_type=jnp.float32)

    @pl.when(i == 0)
    def _():
        acc_s[...] = jnp.zeros_like(acc_s)
        acc_c[...] = jnp.zeros_like(acc_c)

    acc_s[...] += ps
    acc_c[...] += cs

    @pl.when(i == NBLK - 1)
    def _():
        z = acc_s[...] / jnp.maximum(acc_c[...], 1.0)
        zb = z.astype(jnp.bfloat16).astype(jnp.float32)
        wb = wh_ref[...].astype(jnp.bfloat16).astype(jnp.float32)
        out_ref[...] = (jnp.sum(zb * wb, axis=1, keepdims=True)
                        + bh_ref[0, 0])


def _mm_call(x_pad, w01):
    return pl.pallas_call(
        _mm_body,
        grid=(NBLK,),
        in_specs=[
            pl.BlockSpec((BLK, DIN), lambda i: (i, 0)),
            pl.BlockSpec((DIN, 2 * H), lambda i: (0, 0)),
        ],
        out_specs=[
            pl.BlockSpec((BLK, H), lambda i: (i, 0)),
            pl.BlockSpec((BLK, H), lambda i: (i, 0)),
        ],
        out_shape=[
            jax.ShapeDtypeStruct((NPAD, H), jnp.float32),
            jax.ShapeDtypeStruct((NPAD, H), jnp.float32),
        ],
    )(x_pad, w01)


def _mid_call(aggp, degp, y, b, w):
    return pl.pallas_call(
        _mid_body,
        grid=(NBLK,),
        in_specs=[
            pl.BlockSpec((NC, BLK, H), lambda i: (0, i, 0)),
            pl.BlockSpec((NC, BLK, 16), lambda i: (0, i, 0)),
            pl.BlockSpec((BLK, H), lambda i: (i, 0)),
            pl.BlockSpec((1, H), lambda i: (0, 0)),
            pl.BlockSpec((H, 2 * H), lambda i: (0, 0)),
        ],
        out_specs=[
            pl.BlockSpec((BLK, H), lambda i: (i, 0)),
            pl.BlockSpec((BLK, H), lambda i: (i, 0)),
        ],
        out_shape=[
            jax.ShapeDtypeStruct((NPAD, H), jnp.float32),
            jax.ShapeDtypeStruct((NPAD, H), jnp.float32),
        ],
    )(aggp, degp, y, b, w)


def _pool_call(aggp, degp, y, b, batch3, wh, bh):
    return pl.pallas_call(
        _pool_body,
        grid=(NBLK,),
        in_specs=[
            pl.BlockSpec((NC, BLK, H), lambda i: (0, i, 0)),
            pl.BlockSpec((NC, BLK, 16), lambda i: (0, i, 0)),
            pl.BlockSpec((BLK, H), lambda i: (i, 0)),
            pl.BlockSpec((1, H), lambda i: (0, 0)),
            pl.BlockSpec((1, 1, BLK), lambda i: (i, 0, 0)),
            pl.BlockSpec((1, H), lambda i: (0, 0)),
            pl.BlockSpec((1, 1), lambda i: (0, 0)),
        ],
        out_specs=pl.BlockSpec((G, 1), lambda i: (0, 0)),
        out_shape=jax.ShapeDtypeStruct((G, 1), jnp.float32),
        scratch_shapes=[
            pltpu.VMEM((G, H), jnp.float32),
            pltpu.VMEM((G, 1), jnp.float32),
        ],
        compiler_params=pltpu.CompilerParams(
            dimension_semantics=("arbitrary",)),
    )(aggp, degp, y, b, batch3, wh, bh)



def kernel(x, edge_index, batch, Wl0, bl0, Wr0, Wl1, bl1, Wr1, Wl2, bl2, Wr2,
           Wh, bh):
    src, dst = edge_index[0], edge_index[1]
    epad = EPAD - E
    src_p = jnp.concatenate([src, jnp.zeros((epad,), jnp.int32)])
    dst_pad_rows = DUMMY_DST + (jnp.arange(epad, dtype=jnp.int32)
                                % (NPAD - N))
    dst_p = jnp.concatenate([dst, dst_pad_rows])
    srcd = src_p.reshape(NCHUNKS, CB)
    dstd = dst_p.reshape(NCHUNKS, CB)

    x_pad = jnp.zeros((NPAD, DIN), jnp.float32).at[:N].set(x)
    batch3 = jnp.concatenate(
        [batch, jnp.full((NPAD - N,), G, jnp.int32)]).reshape(NBLK, 1, BLK)

    zbig = jnp.zeros((NPAD, H), jnp.float32)
    zsm = jnp.zeros((NPAD, 16), jnp.float32)
    ones16 = jnp.ones((CB, 16), jnp.float32)

    w01 = jnp.concatenate([Wl0.T, Wr0.T], axis=1)
    w11 = jnp.concatenate([Wl1.T, Wr1.T], axis=1)
    w22 = jnp.concatenate([Wl2.T, Wr2.T], axis=1)
    b0 = bl0.reshape(1, H)
    b1 = bl1.reshape(1, H)
    b2 = bl2.reshape(1, H)
    wh2 = Wh.reshape(1, H)
    bh2 = bh.reshape(1, 1)

    FAST_CORE = 0
    sc_deg = _make_sc_agg(True, FAST_CORE)
    sc_plain = _make_sc_agg(False, FAST_CORE)

    p0, y0 = _mm_call(x_pad, w01)
    agg0, deg0 = sc_deg(p0, srcd, dstd, zbig, zsm, ones16)
    p1, y1 = _mid_call(agg0, deg0, y0, b0, w11)
    agg1 = sc_plain(p1, srcd, dstd, zbig)
    p2, y2 = _mid_call(agg1, deg0, y1, b1, w22)
    agg2 = sc_plain(p2, srcd, dstd, zbig)
    out = _pool_call(agg2, deg0, y2, b2, batch3, wh2, bh2)
    return out.reshape(G)

# --- scband reference (transcript-rebuilt; emitter-appended) ---
"""Pipeline reference for scband-compound-event-model-38955353375020 (READ-ONLY COPY).

The authoritative reference and input builder live on the scoring server;
editing this copy changes nothing except your own understanding.
"""

import jax, jax.numpy as jnp
import numpy as np

N = 10000
E = 320000
DIN = 128
H = 64
G = 32

def setup_inputs(seed: int = 0) -> dict:
    key = jax.random.key(seed)
    ks = jax.random.split(key, 12)
    x = jax.random.normal(ks[0], (N, DIN), jnp.float32)
    edge_index = jax.random.randint(ks[1], (2, E), 0, N, jnp.int32)
    batch = jnp.sort(jax.random.randint(ks[2], (N,), 0, G, jnp.int32))
    def lin(k, fo, fi):
        return jax.random.normal(k, (fo, fi), jnp.float32) / np.sqrt(fi)
    return {
        "x": x, "edge_index": edge_index, "batch": batch,
        "Wl0": lin(ks[3], H, DIN), "bl0": jnp.zeros((H,), jnp.float32), "Wr0": lin(ks[4], H, DIN),
        "Wl1": lin(ks[5], H, H), "bl1": jnp.zeros((H,), jnp.float32), "Wr1": lin(ks[6], H, H),
        "Wl2": lin(ks[7], H, H), "bl2": jnp.zeros((H,), jnp.float32), "Wr2": lin(ks[8], H, H),
        "Wh": lin(ks[9], 1, H), "bh": jnp.zeros((1,), jnp.float32),
    }

def _sage(x, src, dst, Wl, bl, Wr):
    # PyG SAGEConv (mean aggr): out = lin_l(mean_j x_j) + lin_r(x); bias lives in lin_l
    n = x.shape[0]
    agg = jnp.zeros((n, x.shape[1]), x.dtype).at[dst].add(x[src])
    deg = jnp.zeros((n,), x.dtype).at[dst].add(1.0)
    agg = agg / jnp.clip(deg, 1.0)[:, None]
    return agg @ Wl.T + bl + x @ Wr.T

def reference(x, edge_index, batch, Wl0, bl0, Wr0, Wl1, bl1, Wr1, Wl2, bl2, Wr2, Wh, bh):
    src, dst = edge_index[0], edge_index[1]
    h = jax.nn.relu(_sage(x, src, dst, Wl0, bl0, Wr0))
    h = jax.nn.relu(_sage(h, src, dst, Wl1, bl1, Wr1))
    h = _sage(h, src, dst, Wl2, bl2, Wr2)
    # global_mean_pool over graph ids
    sums = jnp.zeros((G, h.shape[1]), h.dtype).at[batch].add(h)
    cnt = jnp.zeros((G,), h.dtype).at[batch].add(1.0)
    z = sums / jnp.clip(cnt, 1.0)[:, None]
    out = z @ Wh.T + bh  # use_causal=False head: Linear(hidden_dim, 1)
    return jnp.squeeze(out, axis=-1)

if __name__ == "__main__":
    import jax
    _d = setup_inputs()
    print(jax.jit(kernel)(*tuple(_d.values())))

</pallas_src>

<mosaic_0001>
#map = affine_map<(d0, d1) -> (0, 0)>
#map1 = affine_map<(d0, d1) -> (0, 0, 0)>
module attributes {stable_mosaic.version = 14 : i64} {
  func.func @_sc_agg_body(%arg0: i32, %arg1: i32, %arg2: memref<10240x64xf32, #tpu.memory_space<hbm>>, %arg3: memref<2560x128xi32, #tpu.memory_space<hbm>>, %arg4: memref<2560x128xi32, #tpu.memory_space<hbm>>, %arg5: memref<10240x64xf32, #tpu.memory_space<hbm>>, %arg6: memref<2x10240x64xf32, #tpu.memory_space<hbm>>, %arg7: memref<108x128xi32, #tpu.memory_space<vmem>>, %arg8: memref<108x128xi32, #tpu.memory_space<vmem>>, %arg9: memref<128x64xf32, #tpu.memory_space<vmem>>, %arg10: memref<!tpu.dma_semaphore, #tpu.memory_space<semaphore_mem>>, %arg11: memref<10240x64xf32, #tpu.memory_space<vmem_shared>>) attributes {dimension_semantics = [#tpu.dimension_semantics<core_parallel>, #tpu.dimension_semantics<subcore_parallel>], iteration_bounds = array<i64: 2, 16>, scalar_prefetch = 0 : i64, scratch_operands = 5 : i64, tpu.core_type = #tpu.core_type<sc_vector_subcore>, window_params = [{transform_indices = #map}, {transform_indices = #map}, {transform_indices = #map}, {transform_indices = #map}, {transform_indices = #map1}]} {
    %eq3A = arith.constant 0 : i32
    %eq3A_0 = arith.cmpi eq, %arg0, %eq3A : i32
    %jit3A = arith.constant 108 : i32
    %jit3A_1 = arith.constant 52 : i32
    %select_n3A = arith.select %eq3A_0, %jit3A, %jit3A_1 : i32
    %mul3A = arith.constant 108 : i32
    %mul3A_2 = arith.muli %arg1, %mul3A : i32
    %mul3A_3 = arith.constant 52 : i32
    %mul3A_4 = arith.muli %arg1, %mul3A_3 : i32
    %add3A = arith.constant 1728 : i32
    %add3A_5 = arith.addi %add3A, %mul3A_4 : i32
    %select_n3A_6 = arith.select %eq3A_0, %mul3A_2, %add3A_5 : i32
    %mul3A_7 = arith.constant 640 : i32
    %mul3A_8 = arith.muli %arg1, %mul3A_7 : i32
    "tpu.region"() ({
      %run_scoped3A = tpu.sem_alloc : memref<!tpu.dma_semaphore, #tpu.memory_space<semaphore_mem>>
      %dma_start3A = arith.constant 0 : i32
      %dma_start3A_19 = tpu.memref_slice %arg11[%mul3A_8, %dma_start3A] : memref<10240x64xf32, #tpu.memory_space<vmem_shared>> -> memref<640x64xf32, #tpu.memory_space<vmem_shared>>
      %dma_start3A_20 = arith.constant 0 : i32
      %dma_start3A_21 = tpu.memref_slice %arg5[%mul3A_8, %dma_start3A_20] : memref<10240x64xf32, #tpu.memory_space<hbm>> -> memref<640x64xf32, #tpu.memory_space<hbm>>
      tpu.enqueue_dma source(%dma_start3A_21 : memref<640x64xf32, #tpu.memory_space<hbm>>) target(%dma_start3A_19 : memref<640x64xf32, #tpu.memory_space<vmem_shared>>) target_semaphore(%run_scoped3A : memref<!tpu.dma_semaphore, #tpu.memory_space<semaphore_mem>>)
      %dma_wait3A = arith.constant 0 : i32
      %dma_wait3A_22 = tpu.memref_slice %arg11[%mul3A_8, %dma_wait3A] : memref<10240x64xf32, #tpu.memory_space<vmem_shared>> -> memref<640x64xf32, #tpu.memory_space<vmem_shared>>
      %dma_wait3A_23 = arith.constant 0 : i32
      %dma_wait3A_24 = tpu.memref_slice %arg5[%mul3A_8, %dma_wait3A_23] : memref<10240x64xf32, #tpu.memory_space<hbm>> -> memref<640x64xf32, #tpu.memory_space<hbm>>
      tpu.wait_dma2 semaphore(%run_scoped3A : memref<!tpu.dma_semaphore, #tpu.memory_space<semaphore_mem>>) src(%dma_wait3A_24 : memref<640x64xf32, #tpu.memory_space<hbm>>) dst(%dma_wait3A_22 : memref<640x64xf32, #tpu.memory_space<vmem_shared>>)
      tpu.yield
    }) : () -> ()
    "tpu.region"() ({
      %run_scoped3A = tpu.sem_alloc : memref<!tpu.dma_semaphore, #tpu.memory_space<semaphore_mem>>
      %dma_start3A = arith.constant 0 : i32
      %dma_start3A_19 = tpu.memref_slice %arg3[%select_n3A_6, %dma_start3A] : memref<2560x128xi32, #tpu.memory_space<hbm>> -> memref<108x128xi32, #tpu.memory_space<hbm>>
      %dma_start3A_20 = arith.constant 0 : i32
      %dma_start3A_21 = tpu.memref_slice %arg3[%select_n3A_6, %dma_start3A_20] : memref<2560x128xi32, #tpu.memory_space<hbm>> -> memref<108x128xi32, #tpu.memory_space<hbm>>
      tpu.enqueue_dma source(%dma_start3A_21 : memref<108x128xi32, #tpu.memory_space<hbm>>) target(%arg7 : memref<108x128xi32, #tpu.memory_space<vmem>>) target_semaphore(%run_scoped3A : memref<!tpu.dma_semaphore, #tpu.memory_space<semaphore_mem>>)
      %dma_wait3A = arith.constant 0 : i32
      %dma_wait3A_22 = tpu.memref_slice %arg3[%select_n3A_6, %dma_wait3A] : memref<2560x128xi32, #tpu.memory_space<hbm>> -> memref<108x128xi32, #tpu.memory_space<hbm>>
      %dma_wait3A_23 = arith.constant 0 : i32
      %dma_wait3A_24 = tpu.memref_slice %arg3[%select_n3A_6, %dma_wait3A_23] : memref<2560x128xi32, #tpu.memory_space<hbm>> -> memref<108x128xi32, #tpu.memory_space<hbm>>
      tpu.wait_dma2 semaphore(%run_scoped3A : memref<!tpu.dma_semaphore, #tpu.memory_space<semaphore_mem>>) src(%dma_wait3A_24 : memref<108x128xi32, #tpu.memory_space<hbm>>) dst(%arg7 : memref<108x128xi32, #tpu.memory_space<vmem>>)
      tpu.yield
    }) : () -> ()
    "tpu.region"() ({
      %run_scoped3A = tpu.sem_alloc : memref<!tpu.dma_semaphore, #tpu.memory_space<semaphore_mem>>
      %dma_start3A = arith.constant 0 : i32
      %dma_start3A_19 = tpu.memref_slice %arg4[%select_n3A_6, %dma_start3A] : memref<2560x128xi32, #tpu.memory_space<hbm>> -> memref<108x128xi32, #tpu.memory_space<hbm>>
      %dma_start3A_20 = arith.constant 0 : i32
      %dma_start3A_21 = tpu.memref_slice %arg4[%select_n3A_6, %dma_start3A_20] : memref<2560x128xi32, #tpu.memory_space<hbm>> -> memref<108x128xi32, #tpu.memory_space<hbm>>
      tpu.enqueue_dma source(%dma_start3A_21 : memref<108x128xi32, #tpu.memory_space<hbm>>) target(%arg8 : memref<108x128xi32, #tpu.memory_space<vmem>>) target_semaphore(%run_scoped3A : memref<!tpu.dma_semaphore, #tpu.memory_space<semaphore_mem>>)
      %dma_wait3A = arith.constant 0 : i32
      %dma_wait3A_22 = tpu.memref_slice %arg4[%select_n3A_6, %dma_wait3A] : memref<2560x128xi32, #tpu.memory_space<hbm>> -> memref<108x128xi32, #tpu.memory_space<hbm>>
      %dma_wait3A_23 = arith.constant 0 : i32
      %dma_wait3A_24 = tpu.memref_slice %arg4[%select_n3A_6, %dma_wait3A_23] : memref<2560x128xi32, #tpu.memory_space<hbm>> -> memref<108x128xi32, #tpu.memory_space<hbm>>
      tpu.wait_dma2 semaphore(%run_scoped3A : memref<!tpu.dma_semaphore, #tpu.memory_space<semaphore_mem>>) src(%dma_wait3A_24 : memref<108x128xi32, #tpu.memory_space<hbm>>) dst(%arg8 : memref<108x128xi32, #tpu.memory_space<vmem>>)
      tpu.yield
    }) : () -> ()
    %barrier3A = arith.constant 0 : index
    tpu.barrier barrier_id(%barrier3A)
    %while3A = arith.constant 0 : i32
    %while3A_9 = arith.constant 0 : i32
    %while3A_10 = arith.subi %select_n3A, %while3A_9 : i32
    %while3A_11 = arith.addi %while3A_9, %while3A_10 : i32
    %while3A_12 = arith.constant 1 : i32
    %while3A_13 = arith.divsi %while3A_10, %while3A_12 : i32
    %while3A_14 = arith.muli %while3A_13, %while3A_12 : i32
    %while3A_15 = arith.addi %while3A_9, %while3A_14 : i32
    %while3A_16 = arith.constant 1 : i32
    scf.for %while3A_19 = %while3A_9 to %while3A_15 step %while3A_16  : i32 {
      %dma_start3A = arith.constant 0 : i32
      %dma_start3A_20 = tpu.memref_slice %arg7[%while3A_19, %dma_start3A] : memref<108x128xi32, #tpu.memory_space<vmem>> -> memref<1x128xi32, #tpu.memory_space<vmem>>
      %dma_start3A_21 = tpu.memref_squeeze %dma_start3A_20 : memref<1x128xi32, #tpu.memory_space<vmem>> -> memref<128xi32, #tpu.memory_space<vmem>>
      %dma_start3A_22 = arith.constant 0 : i32
      %dma_start3A_23 = arith.constant 0 : i32
      %dma_start3A_24 = tpu.memref_slice %arg2[%dma_start3A_22, %dma_start3A_23] : memref<10240x64xf32, #tpu.memory_space<hbm>> -> memref<10240x64xf32, #tpu.memory_space<hbm>>
      tpu.enqueue_indirect_dma source(%dma_start3A_24 : memref<10240x64xf32, #tpu.memory_space<hbm>>) target(%arg9 : memref<128x64xf32, #tpu.memory_space<vmem>>) offsets(%dma_start3A_21 : memref<128xi32, #tpu.memory_space<vmem>>) semaphore(%arg10 : memref<!tpu.dma_semaphore, #tpu.memory_space<semaphore_mem>>)
      %dma_wait3A = arith.constant 0 : i32
      %dma_wait3A_25 = tpu.memref_slice %arg7[%while3A_19, %dma_wait3A] : memref<108x128xi32, #tpu.memory_space<vmem>> -> memref<1x128xi32, #tpu.memory_space<vmem>>
      %dma_wait3A_26 = tpu.memref_squeeze %dma_wait3A_25 : memref<1x128xi32, #tpu.memory_space<vmem>> -> memref<128xi32, #tpu.memory_space<vmem>>
      %dma_wait3A_27 = arith.constant 0 : i32
      %dma_wait3A_28 = arith.constant 0 : i32
      %dma_wait3A_29 = tpu.memref_slice %arg2[%dma_wait3A_27, %dma_wait3A_28] : memref<10240x64xf32, #tpu.memory_space<hbm>> -> memref<10240x64xf32, #tpu.memory_space<hbm>>
      tpu.wait_indirect_dma semaphore(%arg10 : memref<!tpu.dma_semaphore, #tpu.memory_space<semaphore_mem>>) src(%dma_wait3A_29 : memref<10240x64xf32, #tpu.memory_space<hbm>>) dst(%arg9 : memref<128x64xf32, #tpu.memory_space<vmem>>)
      "tpu.region"() ({
        %run_scoped3A = tpu.sem_alloc : memref<!tpu.dma_semaphore, #tpu.memory_space<semaphore_mem>>
        %dma_start3A_30 = arith.constant 0 : i32
        %dma_start3A_31 = tpu.memref_slice %arg8[%while3A_19, %dma_start3A_30] : memref<108x128xi32, #tpu.memory_space<vmem>> -> memref<1x128xi32, #tpu.memory_space<vmem>>
        %dma_start3A_32 = tpu.memref_squeeze %dma_start3A_31 : memref<1x128xi32, #tpu.memory_space<vmem>> -> memref<128xi32, #tpu.memory_space<vmem>>
        %dma_start3A_33 = arith.constant 0 : i32
        %dma_start3A_34 = arith.constant 0 : i32
        %dma_start3A_35 = tpu.memref_slice %arg11[%dma_start3A_33, %dma_start3A_34] : memref<10240x64xf32, #tpu.memory_space<vmem_shared>> -> memref<10240x64xf32, #tpu.memory_space<vmem_shared>>
        tpu.enqueue_indirect_dma source(%arg9 : memref<128x64xf32, #tpu.memory_space<vmem>>) target(%dma_start3A_35 : memref<10240x64xf32, #tpu.memory_space<vmem_shared>>) offsets(%dma_start3A_32 : memref<128xi32, #tpu.memory_space<vmem>>) semaphore(%run_scoped3A : memref<!tpu.dma_semaphore, #tpu.memory_space<semaphore_mem>>) {add = true}
        %dma_wait3A_36 = arith.constant 0 : i32
        %dma_wait3A_37 = tpu.memref_slice %arg8[%while3A_19, %dma_wait3A_36] : memref<108x128xi32, #tpu.memory_space<vmem>> -> memref<1x128xi32, #tpu.memory_space<vmem>>
        %dma_wait3A_38 = tpu.memref_squeeze %dma_wait3A_37 : memref<1x128xi32, #tpu.memory_space<vmem>> -> memref<128xi32, #tpu.memory_space<vmem>>
        %dma_wait3A_39 = arith.constant 0 : i32
        %dma_wait3A_40 = arith.constant 0 : i32
        %dma_wait3A_41 = tpu.memref_slice %arg11[%dma_wait3A_39, %dma_wait3A_40] : memref<10240x64xf32, #tpu.memory_space<vmem_shared>> -> memref<10240x64xf32, #tpu.memory_space<vmem_shared>>
        tpu.wait_indirect_dma semaphore(%run_scoped3A : memref<!tpu.dma_semaphore, #tpu.memory_space<semaphore_mem>>) src(%arg9 : memref<128x64xf32, #tpu.memory_space<vmem>>) dst(%dma_wait3A_41 : memref<10240x64xf32, #tpu.memory_space<vmem_shared>>)
        tpu.yield
      }) : () -> ()
    }
    %while3A_17 = arith.constant 1 : i32
    scf.for %while3A_19 = %while3A_15 to %while3A_11 step %while3A_17  : i32 {
      %dma_start3A = arith.constant 0 : i32
      %dma_start3A_20 = tpu.memref_slice %arg7[%while3A_19, %dma_start3A] : memref<108x128xi32, #tpu.memory_space<vmem>> -> memref<1x128xi32, #tpu.memory_space<vmem>>
      %dma_start3A_21 = tpu.memref_squeeze %dma_start3A_20 : memref<1x128xi32, #tpu.memory_space<vmem>> -> memref<128xi32, #tpu.memory_space<vmem>>
      %dma_start3A_22 = arith.constant 0 : i32
      %dma_start3A_23 = arith.constant 0 : i32
      %dma_start3A_24 = tpu.memref_slice %arg2[%dma_start3A_22, %dma_start3A_23] : memref<10240x64xf32, #tpu.memory_space<hbm>> -> memref<10240x64xf32, #tpu.memory_space<hbm>>
      tpu.enqueue_indirect_dma source(%dma_start3A_24 : memref<10240x64xf32, #tpu.memory_space<hbm>>) target(%arg9 : memref<128x64xf32, #tpu.memory_space<vmem>>) offsets(%dma_start3A_21 : memref<128xi32, #tpu.memory_space<vmem>>) semaphore(%arg10 : memref<!tpu.dma_semaphore, #tpu.memory_space<semaphore_mem>>)
      %dma_wait3A = arith.constant 0 : i32
      %dma_wait3A_25 = tpu.memref_slice %arg7[%while3A_19, %dma_wait3A] : memref<108x128xi32, #tpu.memory_space<vmem>> -> memref<1x128xi32, #tpu.memory_space<vmem>>
      %dma_wait3A_26 = tpu.memref_squeeze %dma_wait3A_25 : memref<1x128xi32, #tpu.memory_space<vmem>> -> memref<128xi32, #tpu.memory_space<vmem>>
      %dma_wait3A_27 = arith.constant 0 : i32
      %dma_wait3A_28 = arith.constant 0 : i32
      %dma_wait3A_29 = tpu.memref_slice %arg2[%dma_wait3A_27, %dma_wait3A_28] : memref<10240x64xf32, #tpu.memory_space<hbm>> -> memref<10240x64xf32, #tpu.memory_space<hbm>>
      tpu.wait_indirect_dma semaphore(%arg10 : memref<!tpu.dma_semaphore, #tpu.memory_space<semaphore_mem>>) src(%dma_wait3A_29 : memref<10240x64xf32, #tpu.memory_space<hbm>>) dst(%arg9 : memref<128x64xf32, #tpu.memory_space<vmem>>)
      "tpu.region"() ({
        %run_scoped3A = tpu.sem_alloc : memref<!tpu.dma_semaphore, #tpu.memory_space<semaphore_mem>>
        %dma_start3A_30 = arith.constant 0 : i32
        %dma_start3A_31 = tpu.memref_slice %arg8[%while3A_19, %dma_start3A_30] : memref<108x128xi32, #tpu.memory_space<vmem>> -> memref<1x128xi32, #tpu.memory_space<vmem>>
        %dma_start3A_32 = tpu.memref_squeeze %dma_start3A_31 : memref<1x128xi32, #tpu.memory_space<vmem>> -> memref<128xi32, #tpu.memory_space<vmem>>
        %dma_start3A_33 = arith.constant 0 : i32
        %dma_start3A_34 = arith.constant 0 : i32
        %dma_start3A_35 = tpu.memref_slice %arg11[%dma_start3A_33, %dma_start3A_34] : memref<10240x64xf32, #tpu.memory_space<vmem_shared>> -> memref<10240x64xf32, #tpu.memory_space<vmem_shared>>
        tpu.enqueue_indirect_dma source(%arg9 : memref<128x64xf32, #tpu.memory_space<vmem>>) target(%dma_start3A_35 : memref<10240x64xf32, #tpu.memory_space<vmem_shared>>) offsets(%dma_start3A_32 : memref<128xi32, #tpu.memory_space<vmem>>) semaphore(%run_scoped3A : memref<!tpu.dma_semaphore, #tpu.memory_space<semaphore_mem>>) {add = true}
        %dma_wait3A_36 = arith.constant 0 : i32
        %dma_wait3A_37 = tpu.memref_slice %arg8[%while3A_19, %dma_wait3A_36] : memref<108x128xi32, #tpu.memory_space<vmem>> -> memref<1x128xi32, #tpu.memory_space<vmem>>
        %dma_wait3A_38 = tpu.memref_squeeze %dma_wait3A_37 : memref<1x128xi32, #tpu.memory_space<vmem>> -> memref<128xi32, #tpu.memory_space<vmem>>
        %dma_wait3A_39 = arith.constant 0 : i32
        %dma_wait3A_40 = arith.constant 0 : i32
        %dma_wait3A_41 = tpu.memref_slice %arg11[%dma_wait3A_39, %dma_wait3A_40] : memref<10240x64xf32, #tpu.memory_space<vmem_shared>> -> memref<10240x64xf32, #tpu.memory_space<vmem_shared>>
        tpu.wait_indirect_dma semaphore(%run_scoped3A : memref<!tpu.dma_semaphore, #tpu.memory_space<semaphore_mem>>) src(%arg9 : memref<128x64xf32, #tpu.memory_space<vmem>>) dst(%dma_wait3A_41 : memref<10240x64xf32, #tpu.memory_space<vmem_shared>>)
        tpu.yield
      }) : () -> ()
    }
    %barrier3A_18 = arith.constant 0 : index
    tpu.barrier barrier_id(%barrier3A_18)
    "tpu.region"() ({
      %run_scoped3A = tpu.sem_alloc : memref<!tpu.dma_semaphore, #tpu.memory_space<semaphore_mem>>
      %dma_start3A = arith.constant 0 : i32
      %dma_start3A_19 = tpu.memref_slice %arg6[%arg0, %mul3A_8, %dma_start3A] : memref<2x10240x64xf32, #tpu.memory_space<hbm>> -> memref<1x640x64xf32, #tpu.memory_space<hbm>>
      %dma_start3A_20 = tpu.memref_squeeze %dma_start3A_19 : memref<1x640x64xf32, #tpu.memory_space<hbm>> -> memref<640x64xf32, #tpu.memory_space<hbm>>
      %dma_start3A_21 = arith.constant 0 : i32
      %dma_start3A_22 = tpu.memref_slice %arg11[%mul3A_8, %dma_start3A_21] : memref<10240x64xf32, #tpu.memory_space<vmem_shared>> -> memref<640x64xf32, #tpu.memory_space<vmem_shared>>
      tpu.enqueue_dma source(%dma_start3A_22 : memref<640x64xf32, #tpu.memory_space<vmem_shared>>) target(%dma_start3A_20 : memref<640x64xf32, #tpu.memory_space<hbm>>) target_semaphore(%run_scoped3A : memref<!tpu.dma_semaphore, #tpu.memory_space<semaphore_mem>>)
      %dma_wait3A = arith.constant 0 : i32
      %dma_wait3A_23 = tpu.memref_slice %arg6[%arg0, %mul3A_8, %dma_wait3A] : memref<2x10240x64xf32, #tpu.memory_space<hbm>> -> memref<1x640x64xf32, #tpu.memory_space<hbm>>
      %dma_wait3A_24 = tpu.memref_squeeze %dma_wait3A_23 : memref<1x640x64xf32, #tpu.memory_space<hbm>> -> memref<640x64xf32, #tpu.memory_space<hbm>>
      %dma_wait3A_25 = arith.constant 0 : i32
      %dma_wait3A_26 = tpu.memref_slice %arg11[%mul3A_8, %dma_wait3A_25] : memref<10240x64xf32, #tpu.memory_space<vmem_shared>> -> memref<640x64xf32, #tpu.memory_space<vmem_shared>>
      tpu.wait_dma2 semaphore(%run_scoped3A : memref<!tpu.dma_semaphore, #tpu.memory_space<semaphore_mem>>) src(%dma_wait3A_26 : memref<640x64xf32, #tpu.memory_space<vmem_shared>>) dst(%dma_wait3A_24 : memref<640x64xf32, #tpu.memory_space<hbm>>)
      tpu.yield
    }) : () -> ()
    return
  }
}

#map = affine_map<(d0, d1) -> (0, 0)>
#map1 = affine_map<(d0, d1) -> (0, 0, 0)>
module attributes {stable_mosaic.version = 14 : i64} {
  func.func @_sc_agg_body(%arg0: i32, %arg1: i32, %arg2: memref<10240x64xf32, #tpu.memory_space<hbm>>, %arg3: memref<2560x128xi32, #tpu.memory_space<hbm>>, %arg4: memref<2560x128xi32, #tpu.memory_space<hbm>>, %arg5: memref<10240x64xf32, #tpu.memory_space<hbm>>, %arg6: memref<2x10240x64xf32, #tpu.memory_space<hbm>>, %arg7: memref<108x128xi32, #tpu.memory_space<vmem>>, %arg8: memref<108x128xi32, #tpu.memory_space<vmem>>, %arg9: memref<128x64xf32, #tpu.memory_space<vmem>>, %arg10: memref<!tpu.dma_semaphore, #tpu.memory_space<semaphore_mem>>, %arg11: memref<10240x64xf32, #tpu.memory_space<vmem_shared>>) attributes {dimension_semantics = [#tpu.dimension_semantics<core_parallel>, #tpu.dimension_semantics<subcore_parallel>], iteration_bounds = array<i64: 2, 16>, scalar_prefetch = 0 : i64, scratch_operands = 5 : i64, tpu.core_type = #tpu.core_type<sc_vector_subcore>, window_params = [{transform_indices = #map}, {transform_indices = #map}, {transform_indices = #map}, {transform_indices = #map}, {transform_indices = #map1}]} {
    %eq3A = arith.constant 0 : i32
    %eq3A_0 = arith.cmpi eq, %arg0, %eq3A : i32
    %jit3A = arith.constant 108 : i32
    %jit3A_1 = arith.constant 52 : i32
    %select_n3A = arith.select %eq3A_0, %jit3A, %jit3A_1 : i32
    %mul3A = arith.constant 108 : i32
    %mul3A_2 = arith.muli %arg1, %mul3A : i32
    %mul3A_3 = arith.constant 52 : i32
    %mul3A_4 = arith.muli %arg1, %mul3A_3 : i32
    %add3A = arith.constant 1728 : i32
    %add3A_5 = arith.addi %add3A, %mul3A_4 : i32
    %select_n3A_6 = arith.select %eq3A_0, %mul3A_2, %add3A_5 : i32
    %mul3A_7 = arith.constant 640 : i32
    %mul3A_8 = arith.muli %arg1, %mul3A_7 : i32
    "tpu.region"() ({
      %run_scoped3A = tpu.sem_alloc : memref<!tpu.dma_semaphore, #tpu.memory_space<semaphore_mem>>
      %dma_start3A = arith.constant 0 : i32
      %dma_start3A_19 = tpu.memref_slice %arg11[%mul3A_8, %dma_start3A] : memref<10240x64xf32, #tpu.memory_space<vmem_shared>> -> memref<640x64xf32, #tpu.memory_space<vmem_shared>>
      %dma_start3A_20 = arith.constant 0 : i32
      %dma_start3A_21 = tpu.memref_slice %arg5[%mul3A_8, %dma_start3A_20] : memref<10240x64xf32, #tpu.memory_space<hbm>> -> memref<640x64xf32, #tpu.memory_space<hbm>>
      tpu.enqueue_dma source(%dma_start3A_21 : memref<640x64xf32, #tpu.memory_space<hbm>>) target(%dma_start3A_19 : memref<640x64xf32, #tpu.memory_space<vmem_shared>>) target_semaphore(%run_scoped3A : memref<!tpu.dma_semaphore, #tpu.memory_space<semaphore_mem>>)
      %dma_wait3A = arith.constant 0 : i32
      %dma_wait3A_22 = tpu.memref_slice %arg11[%mul3A_8, %dma_wait3A] : memref<10240x64xf32, #tpu.memory_space<vmem_shared>> -> memref<640x64xf32, #tpu.memory_space<vmem_shared>>
      %dma_wait3A_23 = arith.constant 0 : i32
      %dma_wait3A_24 = tpu.memref_slice %arg5[%mul3A_8, %dma_wait3A_23] : memref<10240x64xf32, #tpu.memory_space<hbm>> -> memref<640x64xf32, #tpu.memory_space<hbm>>
      tpu.wait_dma2 semaphore(%run_scoped3A : memref<!tpu.dma_semaphore, #tpu.memory_space<semaphore_mem>>) src(%dma_wait3A_24 : memref<640x64xf32, #tpu.memory_space<hbm>>) dst(%dma_wait3A_22 : memref<640x64xf32, #tpu.memory_space<vmem_shared>>)
      tpu.yield
    }) : () -> ()
    "tpu.region"() ({
      %run_scoped3A = tpu.sem_alloc : memref<!tpu.dma_semaphore, #tpu.memory_space<semaphore_mem>>
      %dma_start3A = arith.constant 0 : i32
      %dma_start3A_19 = tpu.memref_slice %arg3[%select_n3A_6, %dma_start3A] : memref<2560x128xi32, #tpu.memory_space<hbm>> -> memref<108x128xi32, #tpu.memory_space<hbm>>
      %dma_start3A_20 = arith.constant 0 : i32
      %dma_start3A_21 = tpu.memref_slice %arg3[%select_n3A_6, %dma_start3A_20] : memref<2560x128xi32, #tpu.memory_space<hbm>> -> memref<108x128xi32, #tpu.memory_space<hbm>>
      tpu.enqueue_dma source(%dma_start3A_21 : memref<108x128xi32, #tpu.memory_space<hbm>>) target(%arg7 : memref<108x128xi32, #tpu.memory_space<vmem>>) target_semaphore(%run_scoped3A : memref<!tpu.dma_semaphore, #tpu.memory_space<semaphore_mem>>)
      %dma_wait3A = arith.constant 0 : i32
      %dma_wait3A_22 = tpu.memref_slice %arg3[%select_n3A_6, %dma_wait3A] : memref<2560x128xi32, #tpu.memory_space<hbm>> -> memref<108x128xi32, #tpu.memory_space<hbm>>
      %dma_wait3A_23 = arith.constant 0 : i32
      %dma_wait3A_24 = tpu.memref_slice %arg3[%select_n3A_6, %dma_wait3A_23] : memref<2560x128xi32, #tpu.memory_space<hbm>> -> memref<108x128xi32, #tpu.memory_space<hbm>>
      tpu.wait_dma2 semaphore(%run_scoped3A : memref<!tpu.dma_semaphore, #tpu.memory_space<semaphore_mem>>) src(%dma_wait3A_24 : memref<108x128xi32, #tpu.memory_space<hbm>>) dst(%arg7 : memref<108x128xi32, #tpu.memory_space<vmem>>)
      tpu.yield
    }) : () -> ()
    "tpu.region"() ({
      %run_scoped3A = tpu.sem_alloc : memref<!tpu.dma_semaphore, #tpu.memory_space<semaphore_mem>>
      %dma_start3A = arith.constant 0 : i32
      %dma_start3A_19 = tpu.memref_slice %arg4[%select_n3A_6, %dma_start3A] : memref<2560x128xi32, #tpu.memory_space<hbm>> -> memref<108x128xi32, #tpu.memory_space<hbm>>
      %dma_start3A_20 = arith.constant 0 : i32
      %dma_start3A_21 = tpu.memref_slice %arg4[%select_n3A_6, %dma_start3A_20] : memref<2560x128xi32, #tpu.memory_space<hbm>> -> memref<108x128xi32, #tpu.memory_space<hbm>>
      tpu.enqueue_dma source(%dma_start3A_21 : memref<108x128xi32, #tpu.memory_space<hbm>>) target(%arg8 : memref<108x128xi32, #tpu.memory_space<vmem>>) target_semaphore(%run_scoped3A : memref<!tpu.dma_semaphore, #tpu.memory_space<semaphore_mem>>)
      %dma_wait3A = arith.constant 0 : i32
      %dma_wait3A_22 = tpu.memref_slice %arg4[%select_n3A_6, %dma_wait3A] : memref<2560x128xi32, #tpu.memory_space<hbm>> -> memref<108x128xi32, #tpu.memory_space<hbm>>
      %dma_wait3A_23 = arith.constant 0 : i32
      %dma_wait3A_24 = tpu.memref_slice %arg4[%select_n3A_6, %dma_wait3A_23] : memref<2560x128xi32, #tpu.memory_space<hbm>> -> memref<108x128xi32, #tpu.memory_space<hbm>>
      tpu.wait_dma2 semaphore(%run_scoped3A : memref<!tpu.dma_semaphore, #tpu.memory_space<semaphore_mem>>) src(%dma_wait3A_24 : memref<108x128xi32, #tpu.memory_space<hbm>>) dst(%arg8 : memref<108x128xi32, #tpu.memory_space<vmem>>)
      tpu.yield
    }) : () -> ()
    %barrier3A = arith.constant 0 : index
    tpu.barrier barrier_id(%barrier3A)
    %while3A = arith.constant 0 : i32
    %while3A_9 = arith.constant 0 : i32
    %while3A_10 = arith.subi %select_n3A, %while3A_9 : i32
    %while3A_11 = arith.addi %while3A_9, %while3A_10 : i32
    %while3A_12 = arith.constant 1 : i32
    %while3A_13 = arith.divsi %while3A_10, %while3A_12 : i32
    %while3A_14 = arith.muli %while3A_13, %while3A_12 : i32
    %while3A_15 = arith.addi %while3A_9, %while3A_14 : i32
    %while3A_16 = arith.constant 1 : i32
    scf.for %while3A_19 = %while3A_9 to %while3A_15 step %while3A_16  : i32 {
      %dma_start3A = arith.constant 0 : i32
      %dma_start3A_20 = tpu.memref_slice %arg7[%while3A_19, %dma_start3A] : memref<108x128xi32, #tpu.memory_space<vmem>> -> memref<1x128xi32, #tpu.memory_space<vmem>>
      %dma_start3A_21 = tpu.memref_squeeze %dma_start3A_20 : memref<1x128xi32, #tpu.memory_space<vmem>> -> memref<128xi32, #tpu.memory_space<vmem>>
      %dma_start3A_22 = arith.constant 0 : i32
      %dma_start3A_23 = arith.constant 0 : i32
      %dma_start3A_24 = tpu.memref_slice %arg2[%dma_start3A_22, %dma_start3A_23] : memref<10240x64xf32, #tpu.memory_space<hbm>> -> memref<10240x64xf32, #tpu.memory_space<hbm>>
      tpu.enqueue_indirect_dma source(%dma_start3A_24 : memref<10240x64xf32, #tpu.memory_space<hbm>>) target(%arg9 : memref<128x64xf32, #tpu.memory_space<vmem>>) offsets(%dma_start3A_21 : memref<128xi32, #tpu.memory_space<vmem>>) semaphore(%arg10 : memref<!tpu.dma_semaphore, #tpu.memory_space<semaphore_mem>>)
      %dma_wait3A = arith.constant 0 : i32
      %dma_wait3A_25 = tpu.memref_slice %arg7[%while3A_19, %dma_wait3A] : memref<108x128xi32, #tpu.memory_space<vmem>> -> memref<1x128xi32, #tpu.memory_space<vmem>>
      %dma_wait3A_26 = tpu.memref_squeeze %dma_wait3A_25 : memref<1x128xi32, #tpu.memory_space<vmem>> -> memref<128xi32, #tpu.memory_space<vmem>>
      %dma_wait3A_27 = arith.constant 0 : i32
      %dma_wait3A_28 = arith.constant 0 : i32
      %dma_wait3A_29 = tpu.memref_slice %arg2[%dma_wait3A_27, %dma_wait3A_28] : memref<10240x64xf32, #tpu.memory_space<hbm>> -> memref<10240x64xf32, #tpu.memory_space<hbm>>
      tpu.wait_indirect_dma semaphore(%arg10 : memref<!tpu.dma_semaphore, #tpu.memory_space<semaphore_mem>>) src(%dma_wait3A_29 : memref<10240x64xf32, #tpu.memory_space<hbm>>) dst(%arg9 : memref<128x64xf32, #tpu.memory_space<vmem>>)
      "tpu.region"() ({
        %run_scoped3A = tpu.sem_alloc : memref<!tpu.dma_semaphore, #tpu.memory_space<semaphore_mem>>
        %dma_start3A_30 = arith.constant 0 : i32
        %dma_start3A_31 = tpu.memref_slice %arg8[%while3A_19, %dma_start3A_30] : memref<108x128xi32, #tpu.memory_space<vmem>> -> memref<1x128xi32, #tpu.memory_space<vmem>>
        %dma_start3A_32 = tpu.memref_squeeze %dma_start3A_31 : memref<1x128xi32, #tpu.memory_space<vmem>> -> memref<128xi32, #tpu.memory_space<vmem>>
        %dma_start3A_33 = arith.constant 0 : i32
        %dma_start3A_34 = arith.constant 0 : i32
        %dma_start3A_35 = tpu.memref_slice %arg11[%dma_start3A_33, %dma_start3A_34] : memref<10240x64xf32, #tpu.memory_space<vmem_shared>> -> memref<10240x64xf32, #tpu.memory_space<vmem_shared>>
        tpu.enqueue_indirect_dma source(%arg9 : memref<128x64xf32, #tpu.memory_space<vmem>>) target(%dma_start3A_35 : memref<10240x64xf32, #tpu.memory_space<vmem_shared>>) offsets(%dma_start3A_32 : memref<128xi32, #tpu.memory_space<vmem>>) semaphore(%run_scoped3A : memref<!tpu.dma_semaphore, #tpu.memory_space<semaphore_mem>>) {add = true}
        %dma_wait3A_36 = arith.constant 0 : i32
        %dma_wait3A_37 = tpu.memref_slice %arg8[%while3A_19, %dma_wait3A_36] : memref<108x128xi32, #tpu.memory_space<vmem>> -> memref<1x128xi32, #tpu.memory_space<vmem>>
        %dma_wait3A_38 = tpu.memref_squeeze %dma_wait3A_37 : memref<1x128xi32, #tpu.memory_space<vmem>> -> memref<128xi32, #tpu.memory_space<vmem>>
        %dma_wait3A_39 = arith.constant 0 : i32
        %dma_wait3A_40 = arith.constant 0 : i32
        %dma_wait3A_41 = tpu.memref_slice %arg11[%dma_wait3A_39, %dma_wait3A_40] : memref<10240x64xf32, #tpu.memory_space<vmem_shared>> -> memref<10240x64xf32, #tpu.memory_space<vmem_shared>>
        tpu.wait_indirect_dma semaphore(%run_scoped3A : memref<!tpu.dma_semaphore, #tpu.memory_space<semaphore_mem>>) src(%arg9 : memref<128x64xf32, #tpu.memory_space<vmem>>) dst(%dma_wait3A_41 : memref<10240x64xf32, #tpu.memory_space<vmem_shared>>)
        tpu.yield
      }) : () -> ()
    }
    %while3A_17 = arith.constant 1 : i32
    scf.for %while3A_19 = %while3A_15 to %while3A_11 step %while3A_17  : i32 {
      %dma_start3A = arith.constant 0 : i32
      %dma_start3A_20 = tpu.memref_slice %arg7[%while3A_19, %dma_start3A] : memref<108x128xi32, #tpu.memory_space<vmem>> -> memref<1x128xi32, #tpu.memory_space<vmem>>
      %dma_start3A_21 = tpu.memref_squeeze %dma_start3A_20 : memref<1x128xi32, #tpu.memory_space<vmem>> -> memref<128xi32, #tpu.memory_space<vmem>>
      %dma_start3A_22 = arith.constant 0 : i32
      %dma_start3A_23 = arith.constant 0 : i32
      %dma_start3A_24 = tpu.memref_slice %arg2[%dma_start3A_22, %dma_start3A_23] : memref<10240x64xf32, #tpu.memory_space<hbm>> -> memref<10240x64xf32, #tpu.memory_space<hbm>>
      tpu.enqueue_indirect_dma source(%dma_start3A_24 : memref<10240x64xf32, #tpu.memory_space<hbm>>) target(%arg9 : memref<128x64xf32, #tpu.memory_space<vmem>>) offsets(%dma_start3A_21 : memref<128xi32, #tpu.memory_space<vmem>>) semaphore(%arg10 : memref<!tpu.dma_semaphore, #tpu.memory_space<semaphore_mem>>)
      %dma_wait3A = arith.constant 0 : i32
      %dma_wait3A_25 = tpu.memref_slice %arg7[%while3A_19, %dma_wait3A] : memref<108x128xi32, #tpu.memory_space<vmem>> -> memref<1x128xi32, #tpu.memory_space<vmem>>
      %dma_wait3A_26 = tpu.memref_squeeze %dma_wait3A_25 : memref<1x128xi32, #tpu.memory_space<vmem>> -> memref<128xi32, #tpu.memory_space<vmem>>
      %dma_wait3A_27 = arith.constant 0 : i32
      %dma_wait3A_28 = arith.constant 0 : i32
      %dma_wait3A_29 = tpu.memref_slice %arg2[%dma_wait3A_27, %dma_wait3A_28] : memref<10240x64xf32, #tpu.memory_space<hbm>> -> memref<10240x64xf32, #tpu.memory_space<hbm>>
      tpu.wait_indirect_dma semaphore(%arg10 : memref<!tpu.dma_semaphore, #tpu.memory_space<semaphore_mem>>) src(%dma_wait3A_29 : memref<10240x64xf32, #tpu.memory_space<hbm>>) dst(%arg9 : memref<128x64xf32, #tpu.memory_space<vmem>>)
      "tpu.region"() ({
        %run_scoped3A = tpu.sem_alloc : memref<!tpu.dma_semaphore, #tpu.memory_space<semaphore_mem>>
        %dma_start3A_30 = arith.constant 0 : i32
        %dma_start3A_31 = tpu.memref_slice %arg8[%while3A_19, %dma_start3A_30] : memref<108x128xi32, #tpu.memory_space<vmem>> -> memref<1x128xi32, #tpu.memory_space<vmem>>
        %dma_start3A_32 = tpu.memref_squeeze %dma_start3A_31 : memref<1x128xi32, #tpu.memory_space<vmem>> -> memref<128xi32, #tpu.memory_space<vmem>>
        %dma_start3A_33 = arith.constant 0 : i32
        %dma_start3A_34 = arith.constant 0 : i32
        %dma_start3A_35 = tpu.memref_slice %arg11[%dma_start3A_33, %dma_start3A_34] : memref<10240x64xf32, #tpu.memory_space<vmem_shared>> -> memref<10240x64xf32, #tpu.memory_space<vmem_shared>>
        tpu.enqueue_indirect_dma source(%arg9 : memref<128x64xf32, #tpu.memory_space<vmem>>) target(%dma_start3A_35 : memref<10240x64xf32, #tpu.memory_space<vmem_shared>>) offsets(%dma_start3A_32 : memref<128xi32, #tpu.memory_space<vmem>>) semaphore(%run_scoped3A : memref<!tpu.dma_semaphore, #tpu.memory_space<semaphore_mem>>) {add = true}
        %dma_wait3A_36 = arith.constant 0 : i32
        %dma_wait3A_37 = tpu.memref_slice %arg8[%while3A_19, %dma_wait3A_36] : memref<108x128xi32, #tpu.memory_space<vmem>> -> memref<1x128xi32, #tpu.memory_space<vmem>>
        %dma_wait3A_38 = tpu.memref_squeeze %dma_wait3A_37 : memref<1x128xi32, #tpu.memory_space<vmem>> -> memref<128xi32, #tpu.memory_space<vmem>>
        %dma_wait3A_39 = arith.constant 0 : i32
        %dma_wait3A_40 = arith.constant 0 : i32
        %dma_wait3A_41 = tpu.memref_slice %arg11[%dma_wait3A_39, %dma_wait3A_40] : memref<10240x64xf32, #tpu.memory_space<vmem_shared>> -> memref<10240x64xf32, #tpu.memory_space<vmem_shared>>
        tpu.wait_indirect_dma semaphore(%run_scoped3A : memref<!tpu.dma_semaphore, #tpu.memory_space<semaphore_mem>>) src(%arg9 : memref<128x64xf32, #tpu.memory_space<vmem>>) dst(%dma_wait3A_41 : memref<10240x64xf32, #tpu.memory_space<vmem_shared>>)
        tpu.yield
      }) : () -> ()
    }
    %barrier3A_18 = arith.constant 0 : index
    tpu.barrier barrier_id(%barrier3A_18)
    "tpu.region"() ({
      %run_scoped3A = tpu.sem_alloc : memref<!tpu.dma_semaphore, #tpu.memory_space<semaphore_mem>>
      %dma_start3A = arith.constant 0 : i32
      %dma_start3A_19 = tpu.memref_slice %arg6[%arg0, %mul3A_8, %dma_start3A] : memref<2x10240x64xf32, #tpu.memory_space<hbm>> -> memref<1x640x64xf32, #tpu.memory_space<hbm>>
      %dma_start3A_20 = tpu.memref_squeeze %dma_start3A_19 : memref<1x640x64xf32, #tpu.memory_space<hbm>> -> memref<640x64xf32, #tpu.memory_space<hbm>>
      %dma_start3A_21 = arith.constant 0 : i32
      %dma_start3A_22 = tpu.memref_slice %arg11[%mul3A_8, %dma_start3A_21] : memref<10240x64xf32, #tpu.memory_space<vmem_shared>> -> memref<640x64xf32, #tpu.memory_space<vmem_shared>>
      tpu.enqueue_dma source(%dma_start3A_22 : memref<640x64xf32, #tpu.memory_space<vmem_shared>>) target(%dma_start3A_20 : memref<640x64xf32, #tpu.memory_space<hbm>>) target_semaphore(%run_scoped3A : memref<!tpu.dma_semaphore, #tpu.memory_space<semaphore_mem>>)
      %dma_wait3A = arith.constant 0 : i32
      %dma_wait3A_23 = tpu.memref_slice %arg6[%arg0, %mul3A_8, %dma_wait3A] : memref<2x10240x64xf32, #tpu.memory_space<hbm>> -> memref<1x640x64xf32, #tpu.memory_space<hbm>>
      %dma_wait3A_24 = tpu.memref_squeeze %dma_wait3A_23 : memref<1x640x64xf32, #tpu.memory_space<hbm>> -> memref<640x64xf32, #tpu.memory_space<hbm>>
      %dma_wait3A_25 = arith.constant 0 : i32
      %dma_wait3A_26 = tpu.memref_slice %arg11[%mul3A_8, %dma_wait3A_25] : memref<10240x64xf32, #tpu.memory_space<vmem_shared>> -> memref<640x64xf32, #tpu.memory_space<vmem_shared>>
      tpu.wait_dma2 semaphore(%run_scoped3A : memref<!tpu.dma_semaphore, #tpu.memory_space<semaphore_mem>>) src(%dma_wait3A_26 : memref<640x64xf32, #tpu.memory_space<vmem_shared>>) dst(%dma_wait3A_24 : memref<640x64xf32, #tpu.memory_space<hbm>>)
      tpu.yield
    }) : () -> ()
    return
  }
}

#map = affine_map<(d0, d1) -> (0, 0)>
#map1 = affine_map<(d0, d1) -> (0, 0, 0)>
module attributes {stable_mosaic.version = 14 : i64} {
  func.func @_sc_agg_body(%arg0: i32, %arg1: i32, %arg2: memref<10240x64xf32, #tpu.memory_space<hbm>>, %arg3: memref<2560x128xi32, #tpu.memory_space<hbm>>, %arg4: memref<2560x128xi32, #tpu.memory_space<hbm>>, %arg5: memref<10240x64xf32, #tpu.memory_space<hbm>>, %arg6: memref<10240x16xf32, #tpu.memory_space<hbm>>, %arg7: memref<128x16xf32, #tpu.memory_space<hbm>>, %arg8: memref<2x10240x64xf32, #tpu.memory_space<hbm>>, %arg9: memref<2x10240x16xf32, #tpu.memory_space<hbm>>, %arg10: memref<108x128xi32, #tpu.memory_space<vmem>>, %arg11: memref<108x128xi32, #tpu.memory_space<vmem>>, %arg12: memref<128x64xf32, #tpu.memory_space<vmem>>, %arg13: memref<128x16xf32, #tpu.memory_space<vmem>>, %arg14: memref<!tpu.dma_semaphore, #tpu.memory_space<semaphore_mem>>, %arg15: memref<10240x64xf32, #tpu.memory_space<vmem_shared>>, %arg16: memref<10240x16xf32, #tpu.memory_space<vmem_shared>>) attributes {dimension_semantics = [#tpu.dimension_semantics<core_parallel>, #tpu.dimension_semantics<subcore_parallel>], iteration_bounds = array<i64: 2, 16>, scalar_prefetch = 0 : i64, scratch_operands = 7 : i64, tpu.core_type = #tpu.core_type<sc_vector_subcore>, window_params = [{transform_indices = #map}, {transform_indices = #map}, {transform_indices = #map}, {transform_indices = #map}, {transform_indices = #map}, {transform_indices = #map}, {transform_indices = #map1}, {transform_indices = #map1}]} {
    %eq3A = arith.constant 0 : i32
    %eq3A_0 = arith.cmpi eq, %arg0, %eq3A : i32
    %jit3A = arith.constant 108 : i32
    %jit3A_1 = arith.constant 52 : i32
    %select_n3A = arith.select %eq3A_0, %jit3A, %jit3A_1 : i32
    %mul3A = arith.constant 108 : i32
    %mul3A_2 = arith.muli %arg1, %mul3A : i32
    %mul3A_3 = arith.constant 52 : i32
    %mul3A_4 = arith.muli %arg1, %mul3A_3 : i32
    %add3A = arith.constant 1728 : i32
    %add3A_5 = arith.addi %add3A, %mul3A_4 : i32
    %select_n3A_6 = arith.select %eq3A_0, %mul3A_2, %add3A_5 : i32
    %mul3A_7 = arith.constant 640 : i32
    %mul3A_8 = arith.muli %arg1, %mul3A_7 : i32
    "tpu.region"() ({
      %run_scoped3A = tpu.sem_alloc : memref<!tpu.dma_semaphore, #tpu.memory_space<semaphore_mem>>
      %dma_start3A = arith.constant 0 : i32
      %dma_start3A_19 = tpu.memref_slice %arg15[%mul3A_8, %dma_start3A] : memref<10240x64xf32, #tpu.memory_space<vmem_shared>> -> memref<640x64xf32, #tpu.memory_space<vmem_shared>>
      %dma_start3A_20 = arith.constant 0 : i32
      %dma_start3A_21 = tpu.memref_slice %arg5[%mul3A_8, %dma_start3A_20] : memref<10240x64xf32, #tpu.memory_space<hbm>> -> memref<640x64xf32, #tpu.memory_space<hbm>>
      tpu.enqueue_dma source(%dma_start3A_21 : memref<640x64xf32, #tpu.memory_space<hbm>>) target(%dma_start3A_19 : memref<640x64xf32, #tpu.memory_space<vmem_shared>>) target_semaphore(%run_scoped3A : memref<!tpu.dma_semaphore, #tpu.memory_space<semaphore_mem>>)
      %dma_wait3A = arith.constant 0 : i32
      %dma_wait3A_22 = tpu.memref_slice %arg15[%mul3A_8, %dma_wait3A] : memref<10240x64xf32, #tpu.memory_space<vmem_shared>> -> memref<640x64xf32, #tpu.memory_space<vmem_shared>>
      %dma_wait3A_23 = arith.constant 0 : i32
      %dma_wait3A_24 = tpu.memref_slice %arg5[%mul3A_8, %dma_wait3A_23] : memref<10240x64xf32, #tpu.memory_space<hbm>> -> memref<640x64xf32, #tpu.memory_space<hbm>>
      tpu.wait_dma2 semaphore(%run_scoped3A : memref<!tpu.dma_semaphore, #tpu.memory_space<semaphore_mem>>) src(%dma_wait3A_24 : memref<640x64xf32, #tpu.memory_space<hbm>>) dst(%dma_wait3A_22 : memref<640x64xf32, #tpu.memory_space<vmem_shared>>)
      tpu.yield
    }) : () -> ()
    "tpu.region"() ({
      %run_scoped3A = tpu.sem_alloc : memref<!tpu.dma_semaphore, #tpu.memory_space<semaphore_mem>>
      %dma_start3A = arith.constant 0 : i32
      %dma_start3A_19 = tpu.memref_slice %arg16[%mul3A_8, %dma_start3A] : memref<10240x16xf32, #tpu.memory_space<vmem_shared>> -> memref<640x16xf32, #tpu.memory_space<vmem_shared>>
      %dma_start3A_20 = arith.constant 0 : i32
      %dma_start3A_21 = tpu.memref_slice %arg6[%mul3A_8, %dma_start3A_20] : memref<10240x16xf32, #tpu.memory_space<hbm>> -> memref<640x16xf32, #tpu.memory_space<hbm>>
      tpu.enqueue_dma source(%dma_start3A_21 : memref<640x16xf32, #tpu.memory_space<hbm>>) target(%dma_start3A_19 : memref<640x16xf32, #tpu.memory_space<vmem_shared>>) target_semaphore(%run_scoped3A : memref<!tpu.dma_semaphore, #tpu.memory_space<semaphore_mem>>)
      %dma_wait3A = arith.constant 0 : i32
      %dma_wait3A_22 = tpu.memref_slice %arg16[%mul3A_8, %dma_wait3A] : memref<10240x16xf32, #tpu.memory_space<vmem_shared>> -> memref<640x16xf32, #tpu.memory_space<vmem_shared>>
      %dma_wait3A_23 = arith.constant 0 : i32
      %dma_wait3A_24 = tpu.memref_slice %arg6[%mul3A_8, %dma_wait3A_23] : memref<10240x16xf32, #tpu.memory_space<hbm>> -> memref<640x16xf32, #tpu.memory_space<hbm>>
      tpu.wait_dma2 semaphore(%run_scoped3A : memref<!tpu.dma_semaphore, #tpu.memory_space<semaphore_mem>>) src(%dma_wait3A_24 : memref<640x16xf32, #tpu.memory_space<hbm>>) dst(%dma_wait3A_22 : memref<640x16xf32, #tpu.memory_space<vmem_shared>>)
      tpu.yield
    }) : () -> ()
    "tpu.region"() ({
      %run_scoped3A = tpu.sem_alloc : memref<!tpu.dma_semaphore, #tpu.memory_space<semaphore_mem>>
      tpu.enqueue_dma source(%arg7 : memref<128x16xf32, #tpu.memory_space<hbm>>) target(%arg13 : memref<128x16xf32, #tpu.memory_space<vmem>>) target_semaphore(%run_scoped3A : memref<!tpu.dma_semaphore, #tpu.memory_space<semaphore_mem>>)
      tpu.wait_dma2 semaphore(%run_scoped3A : memref<!tpu.dma_semaphore, #tpu.memory_space<semaphore_mem>>) src(%arg7 : memref<128x16xf32, #tpu.memory_space<hbm>>) dst(%arg13 : memref<128x16xf32, #tpu.memory_space<vmem>>)
      tpu.yield
    }) : () -> ()
    "tpu.region"() ({
      %run_scoped3A = tpu.sem_alloc : memref<!tpu.dma_semaphore, #tpu.memory_space<semaphore_mem>>
      %dma_start3A = arith.constant 0 : i32
      %dma_start3A_19 = tpu.memref_slice %arg3[%select_n3A_6, %dma_start3A] : memref<2560x128xi32, #tpu.memory_space<hbm>> -> memref<108x128xi32, #tpu.memory_space<hbm>>
      %dma_start3A_20 = arith.constant 0 : i32
      %dma_start3A_21 = tpu.memref_slice %arg3[%select_n3A_6, %dma_start3A_20] : memref<2560x128xi32, #tpu.memory_space<hbm>> -> memref<108x128xi32, #tpu.memory_space<hbm>>
      tpu.enqueue_dma source(%dma_start3A_21 : memref<108x128xi32, #tpu.memory_space<hbm>>) target(%arg10 : memref<108x128xi32, #tpu.memory_space<vmem>>) target_semaphore(%run_scoped3A : memref<!tpu.dma_semaphore, #tpu.memory_space<semaphore_mem>>)
      %dma_wait3A = arith.constant 0 : i32
      %dma_wait3A_22 = tpu.memref_slice %arg3[%select_n3A_6, %dma_wait3A] : memref<2560x128xi32, #tpu.memory_space<hbm>> -> memref<108x128xi32, #tpu.memory_space<hbm>>
      %dma_wait3A_23 = arith.constant 0 : i32
      %dma_wait3A_24 = tpu.memref_slice %arg3[%select_n3A_6, %dma_wait3A_23] : memref<2560x128xi32, #tpu.memory_space<hbm>> -> memref<108x128xi32, #tpu.memory_space<hbm>>
      tpu.wait_dma2 semaphore(%run_scoped3A : memref<!tpu.dma_semaphore, #tpu.memory_space<semaphore_mem>>) src(%dma_wait3A_24 : memref<108x128xi32, #tpu.memory_space<hbm>>) dst(%arg10 : memref<108x128xi32, #tpu.memory_space<vmem>>)
      tpu.yield
    }) : () -> ()
    "tpu.region"() ({
      %run_scoped3A = tpu.sem_alloc : memref<!tpu.dma_semaphore, #tpu.memory_space<semaphore_mem>>
      %dma_start3A = arith.constant 0 : i32
      %dma_start3A_19 = tpu.memref_slice %arg4[%select_n3A_6, %dma_start3A] : memref<2560x128xi32, #tpu.memory_space<hbm>> -> memref<108x128xi32, #tpu.memory_space<hbm>>
      %dma_start3A_20 = arith.constant 0 : i32
      %dma_start3A_21 = tpu.memref_slice %arg4[%select_n3A_6, %dma_start3A_20] : memref<2560x128xi32, #tpu.memory_space<hbm>> -> memref<108x128xi32, #tpu.memory_space<hbm>>
      tpu.enqueue_dma source(%dma_start3A_21 : memref<108x128xi32, #tpu.memory_space<hbm>>) target(%arg11 : memref<108x128xi32, #tpu.memory_space<vmem>>) target_semaphore(%run_scoped3A : memref<!tpu.dma_semaphore, #tpu.memory_space<semaphore_mem>>)
      %dma_wait3A = arith.constant 0 : i32
      %dma_wait3A_22 = tpu.memref_slice %arg4[%select_n3A_6, %dma_wait3A] : memref<2560x128xi32, #tpu.memory_space<hbm>> -> memref<108x128xi32, #tpu.memory_space<hbm>>
      %dma_wait3A_23 = arith.constant 0 : i32
      %dma_wait3A_24 = tpu.memref_slice %arg4[%select_n3A_6, %dma_wait3A_23] : memref<2560x128xi32, #tpu.memory_space<hbm>> -> memref<108x128xi32, #tpu.memory_space<hbm>>
      tpu.wait_dma2 semaphore(%run_scoped3A : memref<!tpu.dma_semaphore, #tpu.memory_space<semaphore_mem>>) src(%dma_wait3A_24 : memref<108x128xi32, #tpu.memory_space<hbm>>) dst(%arg11 : memref<108x128xi32, #tpu.memory_space<vmem>>)
      tpu.yield
    }) : () -> ()
    %barrier3A = arith.constant 0 : index
    tpu.barrier barrier_id(%barrier3A)
    %while3A = arith.constant 0 : i32
    %while3A_9 = arith.constant 0 : i32
    %while3A_10 = arith.subi %select_n3A, %while3A_9 : i32
    %while3A_11 = arith.addi %while3A_9, %while3A_10 : i32
    %while3A_12 = arith.constant 1 : i32
    %while3A_13 = arith.divsi %while3A_10, %while3A_12 : i32
    %while3A_14 = arith.muli %while3A_13, %while3A_12 : i32
    %while3A_15 = arith.addi %while3A_9, %while3A_14 : i32
    %while3A_16 = arith.constant 1 : i32
    scf.for %while3A_19 = %while3A_9 to %while3A_15 step %while3A_16  : i32 {
      %dma_start3A = arith.constant 0 : i32
      %dma_start3A_20 = tpu.memref_slice %arg10[%while3A_19, %dma_start3A] : memref<108x128xi32, #tpu.memory_space<vmem>> -> memref<1x128xi32, #tpu.memory_space<vmem>>
      %dma_start3A_21 = tpu.memref_squeeze %dma_start3A_20 : memref<1x128xi32, #tpu.memory_space<vmem>> -> memref<128xi32, #tpu.memory_space<vmem>>
      %dma_start3A_22 = arith.constant 0 : i32
      %dma_start3A_23 = arith.constant 0 : i32
      %dma_start3A_24 = tpu.memref_slice %arg2[%dma_start3A_22, %dma_start3A_23] : memref<10240x64xf32, #tpu.memory_space<hbm>> -> memref<10240x64xf32, #tpu.memory_space<hbm>>
      tpu.enqueue_indirect_dma source(%dma_start3A_24 : memref<10240x64xf32, #tpu.memory_space<hbm>>) target(%arg12 : memref<128x64xf32, #tpu.memory_space<vmem>>) offsets(%dma_start3A_21 : memref<128xi32, #tpu.memory_space<vmem>>) semaphore(%arg14 : memref<!tpu.dma_semaphore, #tpu.memory_space<semaphore_mem>>)
      %dma_wait3A = arith.constant 0 : i32
      %dma_wait3A_25 = tpu.memref_slice %arg10[%while3A_19, %dma_wait3A] : memref<108x128xi32, #tpu.memory_space<vmem>> -> memref<1x128xi32, #tpu.memory_space<vmem>>
      %dma_wait3A_26 = tpu.memref_squeeze %dma_wait3A_25 : memref<1x128xi32, #tpu.memory_space<vmem>> -> memref<128xi32, #tpu.memory_space<vmem>>
      %dma_wait3A_27 = arith.constant 0 : i32
      %dma_wait3A_28 = arith.constant 0 : i32
      %dma_wait3A_29 = tpu.memref_slice %arg2[%dma_wait3A_27, %dma_wait3A_28] : memref<10240x64xf32, #tpu.memory_space<hbm>> -> memref<10240x64xf32, #tpu.memory_space<hbm>>
      tpu.wait_indirect_dma semaphore(%arg14 : memref<!tpu.dma_semaphore, #tpu.memory_space<semaphore_mem>>) src(%dma_wait3A_29 : memref<10240x64xf32, #tpu.memory_space<hbm>>) dst(%arg12 : memref<128x64xf32, #tpu.memory_space<vmem>>)
      "tpu.region"() ({
        %run_scoped3A = tpu.sem_alloc : memref<!tpu.dma_semaphore, #tpu.memory_space<semaphore_mem>>
        %dma_start3A_30 = arith.constant 0 : i32
        %dma_start3A_31 = tpu.memref_slice %arg11[%while3A_19, %dma_start3A_30] : memref<108x128xi32, #tpu.memory_space<vmem>> -> memref<1x128xi32, #tpu.memory_space<vmem>>
        %dma_start3A_32 = tpu.memref_squeeze %dma_start3A_31 : memref<1x128xi32, #tpu.memory_space<vmem>> -> memref<128xi32, #tpu.memory_space<vmem>>
        %dma_start3A_33 = arith.constant 0 : i32
        %dma_start3A_34 = arith.constant 0 : i32
        %dma_start3A_35 = tpu.memref_slice %arg15[%dma_start3A_33, %dma_start3A_34] : memref<10240x64xf32, #tpu.memory_space<vmem_shared>> -> memref<10240x64xf32, #tpu.memory_space<vmem_shared>>
        tpu.enqueue_indirect_dma source(%arg12 : memref<128x64xf32, #tpu.memory_space<vmem>>) target(%dma_start3A_35 : memref<10240x64xf32, #tpu.memory_space<vmem_shared>>) offsets(%dma_start3A_32 : memref<128xi32, #tpu.memory_space<vmem>>) semaphore(%run_scoped3A : memref<!tpu.dma_semaphore, #tpu.memory_space<semaphore_mem>>) {add = true}
        %dma_wait3A_36 = arith.constant 0 : i32
        %dma_wait3A_37 = tpu.memref_slice %arg11[%while3A_19, %dma_wait3A_36] : memref<108x128xi32, #tpu.memory_space<vmem>> -> memref<1x128xi32, #tpu.memory_space<vmem>>
        %dma_wait3A_38 = tpu.memref_squeeze %dma_wait3A_37 : memref<1x128xi32, #tpu.memory_space<vmem>> -> memref<128xi32, #tpu.memory_space<vmem>>
        %dma_wait3A_39 = arith.constant 0 : i32
        %dma_wait3A_40 = arith.constant 0 : i32
        %dma_wait3A_41 = tpu.memref_slice %arg15[%dma_wait3A_39, %dma_wait3A_40] : memref<10240x64xf32, #tpu.memory_space<vmem_shared>> -> memref<10240x64xf32, #tpu.memory_space<vmem_shared>>
        tpu.wait_indirect_dma semaphore(%run_scoped3A : memref<!tpu.dma_semaphore, #tpu.memory_space<semaphore_mem>>) src(%arg12 : memref<128x64xf32, #tpu.memory_space<vmem>>) dst(%dma_wait3A_41 : memref<10240x64xf32, #tpu.memory_space<vmem_shared>>)
        tpu.yield
      }) : () -> ()
      "tpu.region"() ({
        %run_scoped3A = tpu.sem_alloc : memref<!tpu.dma_semaphore, #tpu.memory_space<semaphore_mem>>
        %dma_start3A_30 = arith.constant 0 : i32
        %dma_start3A_31 = tpu.memref_slice %arg11[%while3A_19, %dma_start3A_30] : memref<108x128xi32, #tpu.memory_space<vmem>> -> memref<1x128xi32, #tpu.memory_space<vmem>>
        %dma_start3A_32 = tpu.memref_squeeze %dma_start3A_31 : memref<1x128xi32, #tpu.memory_space<vmem>> -> memref<128xi32, #tpu.memory_space<vmem>>
        %dma_start3A_33 = arith.constant 0 : i32
        %dma_start3A_34 = arith.constant 0 : i32
        %dma_start3A_35 = tpu.memref_slice %arg16[%dma_start3A_33, %dma_start3A_34] : memref<10240x16xf32, #tpu.memory_space<vmem_shared>> -> memref<10240x16xf32, #tpu.memory_space<vmem_shared>>
        tpu.enqueue_indirect_dma source(%arg13 : memref<128x16xf32, #tpu.memory_space<vmem>>) target(%dma_start3A_35 : memref<10240x16xf32, #tpu.memory_space<vmem_shared>>) offsets(%dma_start3A_32 : memref<128xi32, #tpu.memory_space<vmem>>) semaphore(%run_scoped3A : memref<!tpu.dma_semaphore, #tpu.memory_space<semaphore_mem>>) {add = true}
        %dma_wait3A_36 = arith.constant 0 : i32
        %dma_wait3A_37 = tpu.memref_slice %arg11[%while3A_19, %dma_wait3A_36] : memref<108x128xi32, #tpu.memory_space<vmem>> -> memref<1x128xi32, #tpu.memory_space<vmem>>
        %dma_wait3A_38 = tpu.memref_squeeze %dma_wait3A_37 : memref<1x128xi32, #tpu.memory_space<vmem>> -> memref<128xi32, #tpu.memory_space<vmem>>
        %dma_wait3A_39 = arith.constant 0 : i32
        %dma_wait3A_40 = arith.constant 0 : i32
        %dma_wait3A_41 = tpu.memref_slice %arg16[%dma_wait3A_39, %dma_wait3A_40] : memref<10240x16xf32, #tpu.memory_space<vmem_shared>> -> memref<10240x16xf32, #tpu.memory_space<vmem_shared>>
        tpu.wait_indirect_dma semaphore(%run_scoped3A : memref<!tpu.dma_semaphore, #tpu.memory_space<semaphore_mem>>) src(%arg13 : memref<128x16xf32, #tpu.memory_space<vmem>>) dst(%dma_wait3A_41 : memref<10240x16xf32, #tpu.memory_space<vmem_shared>>)
        tpu.yield
      }) : () -> ()
    }
    %while3A_17 = arith.constant 1 : i32
    scf.for %while3A_19 = %while3A_15 to %while3A_11 step %while3A_17  : i32 {
      %dma_start3A = arith.constant 0 : i32
      %dma_start3A_20 = tpu.memref_slice %arg10[%while3A_19, %dma_start3A] : memref<108x128xi32, #tpu.memory_space<vmem>> -> memref<1x128xi32, #tpu.memory_space<vmem>>
      %dma_start3A_21 = tpu.memref_squeeze %dma_start3A_20 : memref<1x128xi32, #tpu.memory_space<vmem>> -> memref<128xi32, #tpu.memory_space<vmem>>
      %dma_start3A_22 = arith.constant 0 : i32
      %dma_start3A_23 = arith.constant 0 : i32
      %dma_start3A_24 = tpu.memref_slice %arg2[%dma_start3A_22, %dma_start3A_23] : memref<10240x64xf32, #tpu.memory_space<hbm>> -> memref<10240x64xf32, #tpu.memory_space<hbm>>
      tpu.enqueue_indirect_dma source(%dma_start3A_24 : memref<10240x64xf32, #tpu.memory_space<hbm>>) target(%arg12 : memref<128x64xf32, #tpu.memory_space<vmem>>) offsets(%dma_start3A_21 : memref<128xi32, #tpu.memory_space<vmem>>) semaphore(%arg14 : memref<!tpu.dma_semaphore, #tpu.memory_space<semaphore_mem>>)
      %dma_wait3A = arith.constant 0 : i32
      %dma_wait3A_25 = tpu.memref_slice %arg10[%while3A_19, %dma_wait3A] : memref<108x128xi32, #tpu.memory_space<vmem>> -> memref<1x128xi32, #tpu.memory_space<vmem>>
      %dma_wait3A_26 = tpu.memref_squeeze %dma_wait3A_25 : memref<1x128xi32, #tpu.memory_space<vmem>> -> memref<128xi32, #tpu.memory_space<vmem>>
      %dma_wait3A_27 = arith.constant 0 : i32
      %dma_wait3A_28 = arith.constant 0 : i32
      %dma_wait3A_29 = tpu.memref_slice %arg2[%dma_wait3A_27, %dma_wait3A_28] : memref<10240x64xf32, #tpu.memory_space<hbm>> -> memref<10240x64xf32, #tpu.memory_space<hbm>>
      tpu.wait_indirect_dma semaphore(%arg14 : memref<!tpu.dma_semaphore, #tpu.memory_space<semaphore_mem>>) src(%dma_wait3A_29 : memref<10240x64xf32, #tpu.memory_space<hbm>>) dst(%arg12 : memref<128x64xf32, #tpu.memory_space<vmem>>)
      "tpu.region"() ({
        %run_scoped3A = tpu.sem_alloc : memref<!tpu.dma_semaphore, #tpu.memory_space<semaphore_mem>>
        %dma_start3A_30 = arith.constant 0 : i32
        %dma_start3A_31 = tpu.memref_slice %arg11[%while3A_19, %dma_start3A_30] : memref<108x128xi32, #tpu.memory_space<vmem>> -> memref<1x128xi32, #tpu.memory_space<vmem>>
        %dma_start3A_32 = tpu.memref_squeeze %dma_start3A_31 : memref<1x128xi32, #tpu.memory_space<vmem>> -> memref<128xi32, #tpu.memory_space<vmem>>
        %dma_start3A_33 = arith.constant 0 : i32
        %dma_start3A_34 = arith.constant 0 : i32
        %dma_start3A_35 = tpu.memref_slice %arg15[%dma_start3A_33, %dma_start3A_34] : memref<10240x64xf32, #tpu.memory_space<vmem_shared>> -> memref<10240x64xf32, #tpu.memory_space<vmem_shared>>
        tpu.enqueue_indirect_dma source(%arg12 : memref<128x64xf32, #tpu.memory_space<vmem>>) target(%dma_start3A_35 : memref<10240x64xf32, #tpu.memory_space<vmem_shared>>) offsets(%dma_start3A_32 : memref<128xi32, #tpu.memory_space<vmem>>) semaphore(%run_scoped3A : memref<!tpu.dma_semaphore, #tpu.memory_space<semaphore_mem>>) {add = true}
        %dma_wait3A_36 = arith.constant 0 : i32
        %dma_wait3A_37 = tpu.memref_slice %arg11[%while3A_19, %dma_wait3A_36] : memref<108x128xi32, #tpu.memory_space<vmem>> -> memref<1x128xi32, #tpu.memory_space<vmem>>
        %dma_wait3A_38 = tpu.memref_squeeze %dma_wait3A_37 : memref<1x128xi32, #tpu.memory_space<vmem>> -> memref<128xi32, #tpu.memory_space<vmem>>
        %dma_wait3A_39 = arith.constant 0 : i32
        %dma_wait3A_40 = arith.constant 0 : i32
        %dma_wait3A_41 = tpu.memref_slice %arg15[%dma_wait3A_39, %dma_wait3A_40] : memref<10240x64xf32, #tpu.memory_space<vmem_shared>> -> memref<10240x64xf32, #tpu.memory_space<vmem_shared>>
        tpu.wait_indirect_dma semaphore(%run_scoped3A : memref<!tpu.dma_semaphore, #tpu.memory_space<semaphore_mem>>) src(%arg12 : memref<128x64xf32, #tpu.memory_space<vmem>>) dst(%dma_wait3A_41 : memref<10240x64xf32, #tpu.memory_space<vmem_shared>>)
        tpu.yield
      }) : () -> ()
      "tpu.region"() ({
        %run_scoped3A = tpu.sem_alloc : memref<!tpu.dma_semaphore, #tpu.memory_space<semaphore_mem>>
        %dma_start3A_30 = arith.constant 0 : i32
        %dma_start3A_31 = tpu.memref_slice %arg11[%while3A_19, %dma_start3A_30] : memref<108x128xi32, #tpu.memory_space<vmem>> -> memref<1x128xi32, #tpu.memory_space<vmem>>
        %dma_start3A_32 = tpu.memref_squeeze %dma_start3A_31 : memref<1x128xi32, #tpu.memory_space<vmem>> -> memref<128xi32, #tpu.memory_space<vmem>>
        %dma_start3A_33 = arith.constant 0 : i32
        %dma_start3A_34 = arith.constant 0 : i32
        %dma_start3A_35 = tpu.memref_slice %arg16[%dma_start3A_33, %dma_start3A_34] : memref<10240x16xf32, #tpu.memory_space<vmem_shared>> -> memref<10240x16xf32, #tpu.memory_space<vmem_shared>>
        tpu.enqueue_indirect_dma source(%arg13 : memref<128x16xf32, #tpu.memory_space<vmem>>) target(%dma_start3A_35 : memref<10240x16xf32, #tpu.memory_space<vmem_shared>>) offsets(%dma_start3A_32 : memref<128xi32, #tpu.memory_space<vmem>>) semaphore(%run_scoped3A : memref<!tpu.dma_semaphore, #tpu.memory_space<semaphore_mem>>) {add = true}
        %dma_wait3A_36 = arith.constant 0 : i32
        %dma_wait3A_37 = tpu.memref_slice %arg11[%while3A_19, %dma_wait3A_36] : memref<108x128xi32, #tpu.memory_space<vmem>> -> memref<1x128xi32, #tpu.memory_space<vmem>>
        %dma_wait3A_38 = tpu.memref_squeeze %dma_wait3A_37 : memref<1x128xi32, #tpu.memory_space<vmem>> -> memref<128xi32, #tpu.memory_space<vmem>>
        %dma_wait3A_39 = arith.constant 0 : i32
        %dma_wait3A_40 = arith.constant 0 : i32
        %dma_wait3A_41 = tpu.memref_slice %arg16[%dma_wait3A_39, %dma_wait3A_40] : memref<10240x16xf32, #tpu.memory_space<vmem_shared>> -> memref<10240x16xf32, #tpu.memory_space<vmem_shared>>
        tpu.wait_indirect_dma semaphore(%run_scoped3A : memref<!tpu.dma_semaphore, #tpu.memory_space<semaphore_mem>>) src(%arg13 : memref<128x16xf32, #tpu.memory_space<vmem>>) dst(%dma_wait3A_41 : memref<10240x16xf32, #tpu.memory_space<vmem_shared>>)
        tpu.yield
      }) : () -> ()
    }
    %barrier3A_18 = arith.constant 0 : index
    tpu.barrier barrier_id(%barrier3A_18)
    "tpu.region"() ({
      %run_scoped3A = tpu.sem_alloc : memref<!tpu.dma_semaphore, #tpu.memory_space<semaphore_mem>>
      %dma_start3A = arith.constant 0 : i32
      %dma_start3A_19 = tpu.memref_slice %arg8[%arg0, %mul3A_8, %dma_start3A] : memref<2x10240x64xf32, #tpu.memory_space<hbm>> -> memref<1x640x64xf32, #tpu.memory_space<hbm>>
      %dma_start3A_20 = tpu.memref_squeeze %dma_start3A_19 : memref<1x640x64xf32, #tpu.memory_space<hbm>> -> memref<640x64xf32, #tpu.memory_space<hbm>>
      %dma_start3A_21 = arith.constant 0 : i32
      %dma_start3A_22 = tpu.memref_slice %arg15[%mul3A_8, %dma_start3A_21] : memref<10240x64xf32, #tpu.memory_space<vmem_shared>> -> memref<640x64xf32, #tpu.memory_space<vmem_shared>>
      tpu.enqueue_dma source(%dma_start3A_22 : memref<640x64xf32, #tpu.memory_space<vmem_shared>>) target(%dma_start3A_20 : memref<640x64xf32, #tpu.memory_space<hbm>>) target_semaphore(%run_scoped3A : memref<!tpu.dma_semaphore, #tpu.memory_space<semaphore_mem>>)
      %dma_wait3A = arith.constant 0 : i32
      %dma_wait3A_23 = tpu.memref_slice %arg8[%arg0, %mul3A_8, %dma_wait3A] : memref<2x10240x64xf32, #tpu.memory_space<hbm>> -> memref<1x640x64xf32, #tpu.memory_space<hbm>>
      %dma_wait3A_24 = tpu.memref_squeeze %dma_wait3A_23 : memref<1x640x64xf32, #tpu.memory_space<hbm>> -> memref<640x64xf32, #tpu.memory_space<hbm>>
      %dma_wait3A_25 = arith.constant 0 : i32
      %dma_wait3A_26 = tpu.memref_slice %arg15[%mul3A_8, %dma_wait3A_25] : memref<10240x64xf32, #tpu.memory_space<vmem_shared>> -> memref<640x64xf32, #tpu.memory_space<vmem_shared>>
      tpu.wait_dma2 semaphore(%run_scoped3A : memref<!tpu.dma_semaphore, #tpu.memory_space<semaphore_mem>>) src(%dma_wait3A_26 : memref<640x64xf32, #tpu.memory_space<vmem_shared>>) dst(%dma_wait3A_24 : memref<640x64xf32, #tpu.memory_space<hbm>>)
      tpu.yield
    }) : () -> ()
    "tpu.region"() ({
      %run_scoped3A = tpu.sem_alloc : memref<!tpu.dma_semaphore, #tpu.memory_space<semaphore_mem>>
      %dma_start3A = arith.constant 0 : i32
      %dma_start3A_19 = tpu.memref_slice %arg9[%arg0, %mul3A_8, %dma_start3A] : memref<2x10240x16xf32, #tpu.memory_space<hbm>> -> memref<1x640x16xf32, #tpu.memory_space<hbm>>
      %dma_start3A_20 = tpu.memref_squeeze %dma_start3A_19 : memref<1x640x16xf32, #tpu.memory_space<hbm>> -> memref<640x16xf32, #tpu.memory_space<hbm>>
      %dma_start3A_21 = arith.constant 0 : i32
      %dma_start3A_22 = tpu.memref_slice %arg16[%mul3A_8, %dma_start3A_21] : memref<10240x16xf32, #tpu.memory_space<vmem_shared>> -> memref<640x16xf32, #tpu.memory_space<vmem_shared>>
      tpu.enqueue_dma source(%dma_start3A_22 : memref<640x16xf32, #tpu.memory_space<vmem_shared>>) target(%dma_start3A_20 : memref<640x16xf32, #tpu.memory_space<hbm>>) target_semaphore(%run_scoped3A : memref<!tpu.dma_semaphore, #tpu.memory_space<semaphore_mem>>)
      %dma_wait3A = arith.constant 0 : i32
      %dma_wait3A_23 = tpu.memref_slice %arg9[%arg0, %mul3A_8, %dma_wait3A] : memref<2x10240x16xf32, #tpu.memory_space<hbm>> -> memref<1x640x16xf32, #tpu.memory_space<hbm>>
      %dma_wait3A_24 = tpu.memref_squeeze %dma_wait3A_23 : memref<1x640x16xf32, #tpu.memory_space<hbm>> -> memref<640x16xf32, #tpu.memory_space<hbm>>
      %dma_wait3A_25 = arith.constant 0 : i32
      %dma_wait3A_26 = tpu.memref_slice %arg16[%mul3A_8, %dma_wait3A_25] : memref<10240x16xf32, #tpu.memory_space<vmem_shared>> -> memref<640x16xf32, #tpu.memory_space<vmem_shared>>
      tpu.wait_dma2 semaphore(%run_scoped3A : memref<!tpu.dma_semaphore, #tpu.memory_space<semaphore_mem>>) src(%dma_wait3A_26 : memref<640x16xf32, #tpu.memory_space<vmem_shared>>) dst(%dma_wait3A_24 : memref<640x16xf32, #tpu.memory_space<hbm>>)
      tpu.yield
    }) : () -> ()
    return
  }
}

module attributes {stable_mosaic.version = 14 : i64} {
  func.func @_mm_body(%arg0: i32, %arg1: memref<1024x128xf32, #tpu.memory_space<vmem>>, %arg2: memref<128x128xf32, #tpu.memory_space<vmem>>, %arg3: memref<1024x64xf32, #tpu.memory_space<vmem>>, %arg4: memref<1024x64xf32, #tpu.memory_space<vmem>>) attributes {dimension_semantics = [#tpu.dimension_semantics<arbitrary>], iteration_bounds = array<i64: 10>, scalar_prefetch = 0 : i64, scratch_operands = 0 : i64, tpu.core_type = #tpu.core_type<tc>, window_params = [{transform_indices = @transform_0, window_bounds = array<i64: 1024, 128>}, {pipeline_mode = #tpu.pipeline_mode<synchronous>, transform_indices = @transform_1, window_bounds = array<i64: 128, 128>}, {transform_indices = @transform_2, window_bounds = array<i64: 1024, 64>}, {transform_indices = @transform_3, window_bounds = array<i64: 1024, 64>}]} {
    %get3A = arith.constant 0 : index
    %get3A_0 = arith.constant 0 : index
    %get3A_1 = vector.load %arg1[%get3A, %get3A_0] : memref<1024x128xf32, #tpu.memory_space<vmem>>, vector<1024x128xf32>
    %get3A_2 = arith.constant 0 : index
    %get3A_3 = arith.constant 0 : index
    %get3A_4 = vector.load %arg2[%get3A_2, %get3A_3] : memref<128x128xf32, #tpu.memory_space<vmem>>, vector<128x128xf32>
    %dot_general3A = arith.constant dense<0.000000e+00> : vector<1024x128xf32>
    %dot_general3A_5 = tpu.matmul %get3A_1, %get3A_4, %dot_general3A {dimension_numbers = #tpu.dot_dimension_numbers<[1], [0], [0], [1], [0, 0, 1, 1], [], []>, transpose_lhs_hint = false} : vector<1024x128xf32>, vector<128x128xf32>, vector<1024x128xf32> -> vector<1024x128xf32>
    %slice3A = vector.extract_strided_slice %dot_general3A_5 {offsets = [0, 0], sizes = [1024, 64], strides = [1, 1]} : vector<1024x128xf32> to vector<1024x64xf32>
    %swap3A = arith.constant 0 : index
    %swap3A_6 = arith.constant 0 : index
    %swap3A_7 = vector.load %arg3[%swap3A, %swap3A_6] : memref<1024x64xf32, #tpu.memory_space<vmem>>, vector<1024x64xf32>
    tpu.vector_store %arg3[%swap3A, %swap3A_6], %slice3A {strides = array<i32>} : memref<1024x64xf32, #tpu.memory_space<vmem>>, vector<1024x64xf32>,
    %slice3A_8 = vector.extract_strided_slice %dot_general3A_5 {offsets = [0, 64], sizes = [1024, 64], strides = [1, 1]} : vector<1024x128xf32> to vector<1024x64xf32>
    %swap3A_9 = arith.constant 0 : index
    %swap3A_10 = arith.constant 0 : index
    %swap3A_11 = vector.load %arg4[%swap3A_9, %swap3A_10] : memref<1024x64xf32, #tpu.memory_space<vmem>>, vector<1024x64xf32>
    tpu.vector_store %arg4[%swap3A_9, %swap3A_10], %slice3A_8 {strides = array<i32>} : memref<1024x64xf32, #tpu.memory_space<vmem>>, vector<1024x64xf32>,
    return
  }
  func.func @transform_0(%arg0: i32) -> (i32, i32) {
    %c0_i32 = arith.constant 0 : i32
    %c0_i32_0 = arith.constant 0 : i32
    return %arg0, %c0_i32 : i32, i32
  }
  func.func @transform_1(%arg0: i32) -> (i32, i32) {
    %c0_i32 = arith.constant 0 : i32
    %c0_i32_0 = arith.constant 0 : i32
    %c0_i32_1 = arith.constant 0 : i32
    return %c0_i32, %c0_i32_0 : i32, i32
  }
  func.func @transform_2(%arg0: i32) -> (i32, i32) {
    %c0_i32 = arith.constant 0 : i32
    %c0_i32_0 = arith.constant 0 : i32
    return %arg0, %c0_i32 : i32, i32
  }
  func.func @transform_3(%arg0: i32) -> (i32, i32) {
    %c0_i32 = arith.constant 0 : i32
    %c0_i32_0 = arith.constant 0 : i32
    return %arg0, %c0_i32 : i32, i32
  }
}

module attributes {stable_mosaic.version = 14 : i64} {
  func.func @_mid_body(%arg0: i32, %arg1: memref<2x1024x64xf32, #tpu.memory_space<vmem>>, %arg2: memref<2x1024x16xf32, #tpu.memory_space<vmem>>, %arg3: memref<1024x64xf32, #tpu.memory_space<vmem>>, %arg4: memref<1x64xf32, #tpu.memory_space<vmem>>, %arg5: memref<64x128xf32, #tpu.memory_space<vmem>>, %arg6: memref<1024x64xf32, #tpu.memory_space<vmem>>, %arg7: memref<1024x64xf32, #tpu.memory_space<vmem>>) attributes {dimension_semantics = [#tpu.dimension_semantics<arbitrary>], iteration_bounds = array<i64: 10>, scalar_prefetch = 0 : i64, scratch_operands = 0 : i64, tpu.core_type = #tpu.core_type<tc>, window_params = [{transform_indices = @transform_0, window_bounds = array<i64: 2, 1024, 64>}, {transform_indices = @transform_1, window_bounds = array<i64: 2, 1024, 16>}, {transform_indices = @transform_2, window_bounds = array<i64: 1024, 64>}, {pipeline_mode = #tpu.pipeline_mode<synchronous>, transform_indices = @transform_3, window_bounds = array<i64: 1, 64>}, {pipeline_mode = #tpu.pipeline_mode<synchronous>, transform_indices = @transform_4, window_bounds = array<i64: 64, 128>}, {transform_indices = @transform_5, window_bounds = array<i64: 1024, 64>}, {transform_indices = @transform_6, window_bounds = array<i64: 1024, 64>}]} {
    %get3A = arith.constant 0 : index
    %get3A_0 = arith.constant 0 : index
    %get3A_1 = arith.constant 0 : index
    %get3A_2 = vector.load %arg1[%get3A, %get3A_0, %get3A_1] : memref<2x1024x64xf32, #tpu.memory_space<vmem>>, vector<1x1024x64xf32>
    %get3A_3 = vector.shape_cast %get3A_2 : vector<1x1024x64xf32> to vector<1024x64xf32>
    %get3A_4 = arith.constant 1 : index
    %get3A_5 = arith.constant 0 : index
    %get3A_6 = arith.constant 0 : index
    %get3A_7 = vector.load %arg1[%get3A_4, %get3A_5, %get3A_6] : memref<2x1024x64xf32, #tpu.memory_space<vmem>>, vector<1x1024x64xf32>
    %get3A_8 = vector.shape_cast %get3A_7 : vector<1x1024x64xf32> to vector<1024x64xf32>
    %add3A = arith.addf %get3A_3, %get3A_8 : vector<1024x64xf32>
    %get3A_9 = arith.constant 0 : index
    %get3A_10 = arith.constant 0 : index
    %get3A_11 = arith.constant 0 : index
    %get3A_12 = vector.load %arg2[%get3A_9, %get3A_10, %get3A_11] : memref<2x1024x16xf32, #tpu.memory_space<vmem>>, vector<1x1024x1xf32>
    %get3A_13 = vector.shape_cast %get3A_12 : vector<1x1024x1xf32> to vector<1024x1xf32>
    %get3A_14 = arith.constant 1 : index
    %get3A_15 = arith.constant 0 : index
    %get3A_16 = arith.constant 0 : index
    %get3A_17 = vector.load %arg2[%get3A_14, %get3A_15, %get3A_16] : memref<2x1024x16xf32, #tpu.memory_space<vmem>>, vector<1x1024x1xf32>
    %get3A_18 = vector.shape_cast %get3A_17 : vector<1x1024x1xf32> to vector<1024x1xf32>
    %add3A_19 = arith.addf %get3A_13, %get3A_18 : vector<1024x1xf32>
    %max3A = arith.constant 1.000000e+00 : f32
    %max3A_20 = vector.broadcast %max3A : f32 to vector<1024x1xf32>
    %max3A_21 = arith.maximumf %add3A_19, %max3A_20 : vector<1024x1xf32>
    %div3A = arith.constant 1.000000e+00 : f32
    %div3A_22 = vector.broadcast %div3A : f32 to vector<1024x1xf32>
    %div3A_23 = arith.divf %div3A_22, %max3A_21 : vector<1024x1xf32>
    %mul3A = vector.broadcast %div3A_23 : vector<1024x1xf32> to vector<1024x64xf32>
    %mul3A_24 = arith.mulf %add3A, %mul3A : vector<1024x64xf32>
    %get3A_25 = arith.constant 0 : index
    %get3A_26 = arith.constant 0 : index
    %get3A_27 = vector.load %arg4[%get3A_25, %get3A_26] : memref<1x64xf32, #tpu.memory_space<vmem>>, vector<1x64xf32>
    %add3A_28 = vector.broadcast %get3A_27 : vector<1x64xf32> to vector<1024x64xf32>
    %add3A_29 = arith.addf %mul3A_24, %add3A_28 : vector<1024x64xf32>
    %get3A_30 = arith.constant 0 : index
    %get3A_31 = arith.constant 0 : index
    %get3A_32 = vector.load %arg3[%get3A_30, %get3A_31] : memref<1024x64xf32, #tpu.memory_space<vmem>>, vector<1024x64xf32>
    %add3A_33 = arith.addf %add3A_29, %get3A_32 : vector<1024x64xf32>
    %max3A_34 = arith.constant 0.000000e+00 : f32
    %max3A_35 = vector.broadcast %max3A_34 : f32 to vector<1024x64xf32>
    %max3A_36 = arith.maximumf %add3A_33, %max3A_35 : vector<1024x64xf32>
    %get3A_37 = arith.constant 0 : index
    %get3A_38 = arith.constant 0 : index
    %get3A_39 = vector.load %arg5[%get3A_37, %get3A_38] : memref<64x128xf32, #tpu.memory_space<vmem>>, vector<64x128xf32>
    %dot_general3A = arith.constant dense<0.000000e+00> : vector<1024x128xf32>
    %dot_general3A_40 = tpu.matmul %max3A_36, %get3A_39, %dot_general3A {dimension_numbers = #tpu.dot_dimension_numbers<[1], [0], [0], [1], [0, 0, 1, 1], [], []>, transpose_lhs_hint = false} : vector<1024x64xf32>, vector<64x128xf32>, vector<1024x128xf32> -> vector<1024x128xf32>
    %slice3A = vector.extract_strided_slice %dot_general3A_40 {offsets = [0, 0], sizes = [1024, 64], strides = [1, 1]} : vector<1024x128xf32> to vector<1024x64xf32>
    %swap3A = arith.constant 0 : index
    %swap3A_41 = arith.constant 0 : index
    %swap3A_42 = vector.load %arg6[%swap3A, %swap3A_41] : memref<1024x64xf32, #tpu.memory_space<vmem>>, vector<1024x64xf32>
    tpu.vector_store %arg6[%swap3A, %swap3A_41], %slice3A {strides = array<i32>} : memref<1024x64xf32, #tpu.memory_space<vmem>>, vector<1024x64xf32>,
    %slice3A_43 = vector.extract_strided_slice %dot_general3A_40 {offsets = [0, 64], sizes = [1024, 64], strides = [1, 1]} : vector<1024x128xf32> to vector<1024x64xf32>
    %swap3A_44 = arith.constant 0 : index
    %swap3A_45 = arith.constant 0 : index
    %swap3A_46 = vector.load %arg7[%swap3A_44, %swap3A_45] : memref<1024x64xf32, #tpu.memory_space<vmem>>, vector<1024x64xf32>
    tpu.vector_store %arg7[%swap3A_44, %swap3A_45], %slice3A_43 {strides = array<i32>} : memref<1024x64xf32, #tpu.memory_space<vmem>>, vector<1024x64xf32>,
    return
  }
  func.func @transform_0(%arg0: i32) -> (i32, i32, i32) {
    %c0_i32 = arith.constant 0 : i32
    %c0_i32_0 = arith.constant 0 : i32
    %c0_i32_1 = arith.constant 0 : i32
    return %c0_i32, %arg0, %c0_i32_0 : i32, i32, i32
  }
  func.func @transform_1(%arg0: i32) -> (i32, i32, i32) {
    %c0_i32 = arith.constant 0 : i32
    %c0_i32_0 = arith.constant 0 : i32
    %c0_i32_1 = arith.constant 0 : i32
    return %c0_i32, %arg0, %c0_i32_0 : i32, i32, i32
  }
  func.func @transform_2(%arg0: i32) -> (i32, i32) {
    %c0_i32 = arith.constant 0 : i32
    %c0_i32_0 = arith.constant 0 : i32
    return %arg0, %c0_i32 : i32, i32
  }
  func.func @transform_3(%arg0: i32) -> (i32, i32) {
    %c0_i32 = arith.constant 0 : i32
    %c0_i32_0 = arith.constant 0 : i32
    %c0_i32_1 = arith.constant 0 : i32
    return %c0_i32, %c0_i32_0 : i32, i32
  }
  func.func @transform_4(%arg0: i32) -> (i32, i32) {
    %c0_i32 = arith.constant 0 : i32
    %c0_i32_0 = arith.constant 0 : i32
    %c0_i32_1 = arith.constant 0 : i32
    return %c0_i32, %c0_i32_0 : i32, i32
  }
  func.func @transform_5(%arg0: i32) -> (i32, i32) {
    %c0_i32 = arith.constant 0 : i32
    %c0_i32_0 = arith.constant 0 : i32
    return %arg0, %c0_i32 : i32, i32
  }
  func.func @transform_6(%arg0: i32) -> (i32, i32) {
    %c0_i32 = arith.constant 0 : i32
    %c0_i32_0 = arith.constant 0 : i32
    return %arg0, %c0_i32 : i32, i32
  }
}

module attributes {stable_mosaic.version = 14 : i64} {
  func.func @_pool_body(%arg0: i32, %arg1: memref<2x1024x64xf32, #tpu.memory_space<vmem>>, %arg2: memref<2x1024x16xf32, #tpu.memory_space<vmem>>, %arg3: memref<1024x64xf32, #tpu.memory_space<vmem>>, %arg4: memref<1x64xf32, #tpu.memory_space<vmem>>, %arg5: memref<1x1x1024xi32, #tpu.memory_space<vmem>>, %arg6: memref<1x64xf32, #tpu.memory_space<vmem>>, %arg7: memref<1x1xf32, #tpu.memory_space<vmem>>, %arg8: memref<32x1xf32, #tpu.memory_space<vmem>>, %arg9: memref<32x64xf32, #tpu.memory_space<vmem>>, %arg10: memref<32x1xf32, #tpu.memory_space<vmem>>) attributes {dimension_semantics = [#tpu.dimension_semantics<arbitrary>], iteration_bounds = array<i64: 10>, scalar_prefetch = 0 : i64, scratch_operands = 2 : i64, tpu.core_type = #tpu.core_type<tc>, window_params = [{transform_indices = @transform_0, window_bounds = array<i64: 2, 1024, 64>}, {transform_indices = @transform_1, window_bounds = array<i64: 2, 1024, 16>}, {transform_indices = @transform_2, window_bounds = array<i64: 1024, 64>}, {pipeline_mode = #tpu.pipeline_mode<synchronous>, transform_indices = @transform_3, window_bounds = array<i64: 1, 64>}, {transform_indices = @transform_4, window_bounds = array<i64: 1, 1, 1024>}, {pipeline_mode = #tpu.pipeline_mode<synchronous>, transform_indices = @transform_5, window_bounds = array<i64: 1, 64>}, {pipeline_mode = #tpu.pipeline_mode<synchronous>, transform_indices = @transform_6, window_bounds = array<i64: 1, 1>}, {pipeline_mode = #tpu.pipeline_mode<synchronous>, transform_indices = @transform_7, window_bounds = array<i64: 32, 1>}]} {
    %get3A = arith.constant 0 : index
    %get3A_0 = arith.constant 0 : index
    %get3A_1 = arith.constant 0 : index
    %get3A_2 = vector.load %arg1[%get3A, %get3A_0, %get3A_1] : memref<2x1024x64xf32, #tpu.memory_space<vmem>>, vector<1x1024x64xf32>
    %get3A_3 = vector.shape_cast %get3A_2 : vector<1x1024x64xf32> to vector<1024x64xf32>
    %get3A_4 = arith.constant 1 : index
    %get3A_5 = arith.constant 0 : index
    %get3A_6 = arith.constant 0 : index
    %get3A_7 = vector.load %arg1[%get3A_4, %get3A_5, %get3A_6] : memref<2x1024x64xf32, #tpu.memory_space<vmem>>, vector<1x1024x64xf32>
    %get3A_8 = vector.shape_cast %get3A_7 : vector<1x1024x64xf32> to vector<1024x64xf32>
    %add3A = arith.addf %get3A_3, %get3A_8 : vector<1024x64xf32>
    %get3A_9 = arith.constant 0 : index
    %get3A_10 = arith.constant 0 : index
    %get3A_11 = arith.constant 0 : index
    %get3A_12 = vector.load %arg2[%get3A_9, %get3A_10, %get3A_11] : memref<2x1024x16xf32, #tpu.memory_space<vmem>>, vector<1x1024x1xf32>
    %get3A_13 = vector.shape_cast %get3A_12 : vector<1x1024x1xf32> to vector<1024x1xf32>
    %get3A_14 = arith.constant 1 : index
    %get3A_15 = arith.constant 0 : index
    %get3A_16 = arith.constant 0 : index
    %get3A_17 = vector.load %arg2[%get3A_14, %get3A_15, %get3A_16] : memref<2x1024x16xf32, #tpu.memory_space<vmem>>, vector<1x1024x1xf32>
    %get3A_18 = vector.shape_cast %get3A_17 : vector<1x1024x1xf32> to vector<1024x1xf32>
    %add3A_19 = arith.addf %get3A_13, %get3A_18 : vector<1024x1xf32>
    %max3A = arith.constant 1.000000e+00 : f32
    %max3A_20 = vector.broadcast %max3A : f32 to vector<1024x1xf32>
    %max3A_21 = arith.maximumf %add3A_19, %max3A_20 : vector<1024x1xf32>
    %div3A = arith.constant 1.000000e+00 : f32
    %div3A_22 = vector.broadcast %div3A : f32 to vector<1024x1xf32>
    %div3A_23 = arith.divf %div3A_22, %max3A_21 : vector<1024x1xf32>
    %mul3A = vector.broadcast %div3A_23 : vector<1024x1xf32> to vector<1024x64xf32>
    %mul3A_24 = arith.mulf %add3A, %mul3A : vector<1024x64xf32>
    %get3A_25 = arith.constant 0 : index
    %get3A_26 = arith.constant 0 : index
    %get3A_27 = vector.load %arg4[%get3A_25, %get3A_26] : memref<1x64xf32, #tpu.memory_space<vmem>>, vector<1x64xf32>
    %add3A_28 = vector.broadcast %get3A_27 : vector<1x64xf32> to vector<1024x64xf32>
    %add3A_29 = arith.addf %mul3A_24, %add3A_28 : vector<1024x64xf32>
    %get3A_30 = arith.constant 0 : index
    %get3A_31 = arith.constant 0 : index
    %get3A_32 = vector.load %arg3[%get3A_30, %get3A_31] : memref<1024x64xf32, #tpu.memory_space<vmem>>, vector<1024x64xf32>
    %add3A_33 = arith.addf %add3A_29, %get3A_32 : vector<1024x64xf32>
    %get3A_34 = arith.constant 0 : index
    %get3A_35 = arith.constant 0 : index
    %get3A_36 = arith.constant 0 : index
    %get3A_37 = vector.load %arg5[%get3A_34, %get3A_35, %get3A_36] : memref<1x1x1024xi32, #tpu.memory_space<vmem>>, vector<1x1x1024xi32>
    %get3A_38 = vector.shape_cast %get3A_37 : vector<1x1x1024xi32> to vector<1024xi32>
    %broadcast_in_dim3A = vector.shape_cast %get3A_38 : vector<1024xi32> to vector<1024x1xi32>
    %iota3A = tpu.iota {dimensions = array<i32: 1>} : vector<1x32xi32>
    %eq3A = vector.broadcast %broadcast_in_dim3A : vector<1024x1xi32> to vector<1024x32xi32>
    %eq3A_39 = vector.broadcast %iota3A : vector<1x32xi32> to vector<1024x32xi32>
    %eq3A_40 = arith.cmpi eq, %eq3A, %eq3A_39 : vector<1024x32xi32>
    %convert_element_type3A = arith.extui %eq3A_40 : vector<1024x32xi1> to vector<1024x32xi32>
    %convert_element_type3A_41 = arith.sitofp %convert_element_type3A : vector<1024x32xi32> to vector<1024x32xf32>
    %convert_element_type3A_42 = arith.truncf %add3A_33 : vector<1024x64xf32> to vector<1024x64xbf16>
    %convert_element_type3A_43 = arith.extf %convert_element_type3A_42 : vector<1024x64xbf16> to vector<1024x64xf32>
    %sub3A = arith.subf %add3A_33, %convert_element_type3A_43 : vector<1024x64xf32>
    %dot_general3A = arith.constant dense<0.000000e+00> : vector<32x64xf32>
    %dot_general3A_44 = tpu.matmul %convert_element_type3A_41, %convert_element_type3A_43, %dot_general3A {dimension_numbers = #tpu.dot_dimension_numbers<[0], [0], [1], [1], [0, 1, 1, 1], [], []>, transpose_lhs_hint = false} : vector<1024x32xf32>, vector<1024x64xf32>, vector<32x64xf32> -> vector<32x64xf32>
    %dot_general3A_45 = arith.constant dense<0.000000e+00> : vector<32x64xf32>
    %dot_general3A_46 = tpu.matmul %convert_element_type3A_41, %sub3A, %dot_general3A_45 {dimension_numbers = #tpu.dot_dimension_numbers<[0], [0], [1], [1], [0, 1, 1, 1], [], []>, transpose_lhs_hint = false} : vector<1024x32xf32>, vector<1024x64xf32>, vector<32x64xf32> -> vector<32x64xf32>
    %add3A_47 = arith.addf %dot_general3A_44, %dot_general3A_46 : vector<32x64xf32>
    %broadcast_in_dim3A_48 = arith.constant 1.000000e+00 : f32
    %broadcast_in_dim3A_49 = vector.broadcast %broadcast_in_dim3A_48 : f32 to vector<1024x1xf32>
    %dot_general3A_50 = arith.constant dense<0.000000e+00> : vector<32x1xf32>
    %dot_general3A_51 = tpu.matmul %convert_element_type3A_41, %broadcast_in_dim3A_49, %dot_general3A_50 {dimension_numbers = #tpu.dot_dimension_numbers<[0], [0], [1], [1], [0, 1, 1, 1], [], []>, transpose_lhs_hint = false} : vector<1024x32xf32>, vector<1024x1xf32>, vector<32x1xf32> -> vector<32x1xf32>
    %eq3A_52 = arith.constant 0 : i32
    %eq3A_53 = arith.cmpi eq, %arg0, %eq3A_52 : i32
    %convert_element_type3A_54 = arith.extui %eq3A_53 : i1 to i32
    %cond3A = arith.constant 0 : i32
    %cond3A_55 = arith.cmpi ne, %convert_element_type3A_54, %cond3A : i32
    scf.if %cond3A_55 {
      %broadcast_in_dim3A_74 = arith.constant 0.000000e+00 : f32
      %broadcast_in_dim3A_75 = vector.broadcast %broadcast_in_dim3A_74 : f32 to vector<32x64xf32>
      %swap3A_76 = arith.constant 0 : index
      %swap3A_77 = arith.constant 0 : index
      %swap3A_78 = vector.load %arg9[%swap3A_76, %swap3A_77] : memref<32x64xf32, #tpu.memory_space<vmem>>, vector<32x64xf32>
      tpu.vector_store %arg9[%swap3A_76, %swap3A_77], %broadcast_in_dim3A_75 {strides = array<i32>} : memref<32x64xf32, #tpu.memory_space<vmem>>, vector<32x64xf32>,
      %broadcast_in_dim3A_79 = arith.constant 0.000000e+00 : f32
      %broadcast_in_dim3A_80 = vector.broadcast %broadcast_in_dim3A_79 : f32 to vector<32x1xf32>
      %swap3A_81 = arith.constant 0 : index
      %swap3A_82 = arith.constant 0 : index
      %swap3A_83 = vector.load %arg10[%swap3A_81, %swap3A_82] : memref<32x1xf32, #tpu.memory_space<vmem>>, vector<32x1xf32>
      tpu.vector_store %arg10[%swap3A_81, %swap3A_82], %broadcast_in_dim3A_80 {strides = array<i32>} : memref<32x1xf32, #tpu.memory_space<vmem>>, vector<32x1xf32>,
    } else {
    }
    %get3A_56 = arith.constant 0 : index
    %get3A_57 = arith.constant 0 : index
    %get3A_58 = vector.load %arg9[%get3A_56, %get3A_57] : memref<32x64xf32, #tpu.memory_space<vmem>>, vector<32x64xf32>
    %add3A_59 = arith.addf %get3A_58, %add3A_47 : vector<32x64xf32>
    %swap3A = arith.constant 0 : index
    %swap3A_60 = arith.constant 0 : index
    %swap3A_61 = vector.load %arg9[%swap3A, %swap3A_60] : memref<32x64xf32, #tpu.memory_space<vmem>>, vector<32x64xf32>
    tpu.vector_store %arg9[%swap3A, %swap3A_60], %add3A_59 {strides = array<i32>} : memref<32x64xf32, #tpu.memory_space<vmem>>, vector<32x64xf32>,
    %get3A_62 = arith.constant 0 : index
    %get3A_63 = arith.constant 0 : index
    %get3A_64 = vector.load %arg10[%get3A_62, %get3A_63] : memref<32x1xf32, #tpu.memory_space<vmem>>, vector<32x1xf32>
    %add3A_65 = arith.addf %get3A_64, %dot_general3A_51 : vector<32x1xf32>
    %swap3A_66 = arith.constant 0 : index
    %swap3A_67 = arith.constant 0 : index
    %swap3A_68 = vector.load %arg10[%swap3A_66, %swap3A_67] : memref<32x1xf32, #tpu.memory_space<vmem>>, vector<32x1xf32>
    tpu.vector_store %arg10[%swap3A_66, %swap3A_67], %add3A_65 {strides = array<i32>} : memref<32x1xf32, #tpu.memory_space<vmem>>, vector<32x1xf32>,
    %eq3A_69 = arith.constant 9 : i32
    %eq3A_70 = arith.cmpi eq, %arg0, %eq3A_69 : i32
    %convert_element_type3A_71 = arith.extui %eq3A_70 : i1 to i32
    %cond3A_72 = arith.constant 0 : i32
    %cond3A_73 = arith.cmpi ne, %convert_element_type3A_71, %cond3A_72 : i32
    scf.if %cond3A_73 {
      %get3A_74 = arith.constant 0 : index
      %get3A_75 = arith.constant 0 : index
      %get3A_76 = vector.load %arg9[%get3A_74, %get3A_75] : memref<32x64xf32, #tpu.memory_space<vmem>>, vector<32x64xf32>
      %get3A_77 = arith.constant 0 : index
      %get3A_78 = arith.constant 0 : index
      %get3A_79 = vector.load %arg10[%get3A_77, %get3A_78] : memref<32x1xf32, #tpu.memory_space<vmem>>, vector<32x1xf32>
      %max3A_80 = arith.constant 1.000000e+00 : f32
      %max3A_81 = vector.broadcast %max3A_80 : f32 to vector<32x1xf32>
      %max3A_82 = arith.maximumf %get3A_79, %max3A_81 : vector<32x1xf32>
      %div3A_83 = vector.broadcast %max3A_82 : vector<32x1xf32> to vector<32x64xf32>
      %div3A_84 = arith.divf %get3A_76, %div3A_83 : vector<32x64xf32>
      %convert_element_type3A_85 = arith.truncf %div3A_84 : vector<32x64xf32> to vector<32x64xbf16>
      %convert_element_type3A_86 = arith.extf %convert_element_type3A_85 : vector<32x64xbf16> to vector<32x64xf32>
      %get3A_87 = arith.constant 0 : index
      %get3A_88 = arith.constant 0 : index
      %get3A_89 = vector.load %arg6[%get3A_87, %get3A_88] : memref<1x64xf32, #tpu.memory_space<vmem>>, vector<1x64xf32>
      %convert_element_type3A_90 = arith.truncf %get3A_89 : vector<1x64xf32> to vector<1x64xbf16>
      %convert_element_type3A_91 = arith.extf %convert_element_type3A_90 : vector<1x64xbf16> to vector<1x64xf32>
      %mul3A_92 = vector.broadcast %convert_element_type3A_91 : vector<1x64xf32> to vector<32x64xf32>
      %mul3A_93 = arith.mulf %convert_element_type3A_86, %mul3A_92 : vector<32x64xf32>
      %reduce_sum3A = arith.constant dense<0.000000e+00> : vector<32xf32>
      %reduce_sum3A_94 = vector.multi_reduction <add>, %mul3A_93, %reduce_sum3A [1] : vector<32x64xf32> to vector<32xf32>
      %broadcast_in_dim3A_95 = vector.shape_cast %reduce_sum3A_94 : vector<32xf32> to vector<32x1xf32>
      %get3A_96 = arith.constant 0 : index
      %get3A_97 = arith.constant 0 : index
      %get3A_98 = vector.load %arg7[%get3A_96, %get3A_97] : memref<1x1xf32, #tpu.memory_space<vmem>>, vector<1x1xf32>
      %get3A_99 = vector.extract %get3A_98[0, 0] : f32 from vector<1x1xf32>
      %add3A_100 = vector.broadcast %get3A_99 : f32 to vector<32x1xf32>
      %add3A_101 = arith.addf %broadcast_in_dim3A_95, %add3A_100 : vector<32x1xf32>
      %swap3A_102 = arith.constant 0 : index
      %swap3A_103 = arith.constant 0 : index
      %swap3A_104 = vector.load %arg8[%swap3A_102, %swap3A_103] : memref<32x1xf32, #tpu.memory_space<vmem>>, vector<32x1xf32>
      tpu.vector_store %arg8[%swap3A_102, %swap3A_103], %add3A_101 {strides = array<i32>} : memref<32x1xf32, #tpu.memory_space<vmem>>, vector<32x1xf32>,
    } else {
    }
    return
  }
  func.func @transform_0(%arg0: i32) -> (i32, i32, i32) {
    %c0_i32 = arith.constant 0 : i32
    %c0_i32_0 = arith.constant 0 : i32
    %c0_i32_1 = arith.constant 0 : i32
    return %c0_i32, %arg0, %c0_i32_0 : i32, i32, i32
  }
  func.func @transform_1(%arg0: i32) -> (i32, i32, i32) {
    %c0_i32 = arith.constant 0 : i32
    %c0_i32_0 = arith.constant 0 : i32
    %c0_i32_1 = arith.constant 0 : i32
    return %c0_i32, %arg0, %c0_i32_0 : i32, i32, i32
  }
  func.func @transform_2(%arg0: i32) -> (i32, i32) {
    %c0_i32 = arith.constant 0 : i32
    %c0_i32_0 = arith.constant 0 : i32
    return %arg0, %c0_i32 : i32, i32
  }
  func.func @transform_3(%arg0: i32) -> (i32, i32) {
    %c0_i32 = arith.constant 0 : i32
    %c0_i32_0 = arith.constant 0 : i32
    %c0_i32_1 = arith.constant 0 : i32
    return %c0_i32, %c0_i32_0 : i32, i32
  }
  func.func @transform_4(%arg0: i32) -> (i32, i32, i32) {
    %c0_i32 = arith.constant 0 : i32
    %c0_i32_0 = arith.constant 0 : i32
    %c0_i32_1 = arith.constant 0 : i32
    return %arg0, %c0_i32, %c0_i32_0 : i32, i32, i32
  }
  func.func @transform_5(%arg0: i32) -> (i32, i32) {
    %c0_i32 = arith.constant 0 : i32
    %c0_i32_0 = arith.constant 0 : i32
    %c0_i32_1 = arith.constant 0 : i32
    return %c0_i32, %c0_i32_0 : i32, i32
  }
  func.func @transform_6(%arg0: i32) -> (i32, i32) {
    %c0_i32 = arith.constant 0 : i32
    %c0_i32_0 = arith.constant 0 : i32
    %c0_i32_1 = arith.constant 0 : i32
    return %c0_i32, %c0_i32_0 : i32, i32
  }
  func.func @transform_7(%arg0: i32) -> (i32, i32) {
    %c0_i32 = arith.constant 0 : i32
    %c0_i32_0 = arith.constant 0 : i32
    %c0_i32_1 = arith.constant 0 : i32
    return %c0_i32, %c0_i32_0 : i32, i32
  }
}

</mosaic_0001>

<sc_bundles>
// kernel: kernel.12.cloned.1.call-start
scs
__scs_entry_jumppad:
0x0: {  	(pc) =	sbr.rel $0x88, $3  }
0x1: {  	(tag) =	ssettag $0x0;
	lr =	simm.s32 $0x1  }
0x2: {  	[smem:$0x3F93] =	sst lr;
	_ =	strace $0xD0000000  }
0x3: {  	_ = 	snop  }
0x4: {  	_ = 	snop  }
0x5: {  	_ = 	snop  }
0x6: {  	_ = 	snop  }
0x7: {  	_ = 	snop  }
__scs_overlays_trampoline_lowered:
0x8: {  	[smem:$0x3FA2] =	sst s0  }
0x9: {  	[smem:$0x3FA3] =	sst s1  }
0xa: {  	[smem:$0x3FA4] =	sst s2  }
0xb: {  	[smem:$0x3FA5] =	sst s3  }
0xc: {  	[smem:$0x3FA6] =	sst s4  }
0xd: {  	[smem:$0x3FA7] =	sst s5  }
0xe: {  	[smem:$0x3FA8] =	sst s6  }
0xf: {  	[smem:$0x3FA9] =	sst s7  }
0x10: {  	[smem:$0x3FAA] =	sst s8  }
0x11: {  	[smem:$0x3FAB] =	sst s9;
	s0 =	simm.s32 @!p0 $0x0  }
0x12: {  	s1 =	sld [smem:$0x3F91];
	s0 =	simm.s32 @p0 $0x1  }
0x13: {  	[smem:$0x3FAC] =	sst s0;
	s0 =	simm.s32 @!p1 $0x0  }
0x14: {  	s2 =	sld [smem:$0x3F90];
	s0 =	simm.s32 @p1 $0x1  }
0x15: {  	[smem:$0x3FAD] =	sst s0;
	s0 =	simm.s32 @!p2 $0x0  }
0x16: {  	s3 =	sld [smem:$0x3FDB];
	s0 =	simm.s32 @p2 $0x1  }
0x17: {  	s4 =	simm.s32 $0x1BF5;
	[smem:$0x3FAF] =	sst s0  }
0x18: {  	s0 =	sld [smem:$0x3F92];
	_ =	swait.ge [sflag:s4], $0x0  }
0x19: {  	s7 =	sld [smem:$0x3F93]  }
0x1a: {  	s8 =	sadd.s32 $0xFFFFE003, lr  }
0x1b: {  	s9 =	sadd.s32 $0xFFFFFEF7, lr;
	s5 =	simm.s32 $0xFFFFFFFF;
	p2 =	slt.u32 s8, $0xFFFFF086  }
0x1c: {  	p1 =	slt.u32 s9, $0xF7A;
	s5 =	simm.s32 @!p2 $0x0  }
0x1d: {  	s5 =	simm.s32 @p1 $0x1;
	p0 =	seq.s32 s7, s2  }
0x1e: {  	s7 =	smul.u32 @!p0 $0xF7A, s2;
	p2 =	seq.s32 @!p0 s5, $0x0  }
0x1f: {  	s9 =	smul.u32 $0xF7A, s1;
	s8 =	simm.s32 @!p0 $0x1BF5;
	p2 =	por !p2, p0  }
0x20: {  	[sflag:s8] =	ssyncset.s32 @!p0 $0xFFFFF086;
	s6 =	sadd.s32 @!p0 s3, s7;
	s7 =	simm.s32 @!p0 $0x108  }
0x21: {  	s3 =	sadd.s32 s3, s9;
	s6 =	sadd.s32 @!p0 $0x88, s6;
	s7 =	simm.s32 @p2 $0x1082  }
0x22: {  	[simem:s7], [sflag:s8] =	dma.local @!p0 [hbm:s6], $0xF7A  }
0x23: {  	s9 =	sor.u32 $0xD0000000, s2;
	s6 =	simm.s32 $0x108;
	_ =	swait.ge @!p0 [sflag:s8], $0x0  }
0x24: {  	s3 =	sadd.s32 $0x88, s3;
	s6 =	simm.s32 @!p1 $0x1082;
	[sflag:s4] =	ssyncset.s32 $0xFFFFF086  }
0x25: {  	[simem:s6], [sflag:s4] =	dma.local [hbm:s3], $0xF7A  }
0x26: {  	[smem:$0x3F93] =	sst s1;
	(tag) =	ssettag s2;
	_ =	strace s9  }
0x27: {  	s1 =	sld [smem:$0x3FA3]  }
0x28: {  	s2 =	sld [smem:$0x3FA4]  }
0x29: {  	s4 =	sld [smem:$0x3FA6]  }
0x2a: {  	p0 =	seq.s32 s5, $0x0;
	s5 =	sld [smem:$0x3FA7]  }
0x2b: {  	s6 =	sld [smem:$0x3FA8]  }
0x2c: {  	s7 =	sld [smem:$0x3FA9]  }
0x2d: {  	s3 =	simm.s32 $0x108;
	s8 =	sld [smem:$0x3FAA]  }
0x2e: {  	s3 =	simm.s32 @!p0 $0x1082;
	s9 =	sld [smem:$0x3FAB]  }
0x2f: {  	lr =	sadd.s32 s0, s3;
	s0 =	sld [smem:$0x3FA2]  }
0x30: {  	s3 =	sld [smem:$0x3FA5]  }
0x31: {  	[smem:$0x3FAE] =	sst s10  }
0x32: {  	s10 =	sld [smem:$0x3FAC];
	_ =	sdelay $0x3  }
0x33: {  	p0 =	seq.s32 s10, $0x1;
	s10 =	sld [smem:$0x3FAE];
	_ =	sdelay $0x3  }
0x34: {  	[smem:$0x3FAE] =	sst s10  }
0x35: {  	s10 =	sld [smem:$0x3FAD];
	_ =	sdelay $0x3  }
0x36: {  	p1 =	seq.s32 s10, $0x1;
	s10 =	sld [smem:$0x3FAE];
	_ =	sdelay $0x3  }
0x37: {  	[smem:$0x3FAE] =	sst s10  }
0x38: {  	s10 =	sld [smem:$0x3FAF]  }
0x39: {  	_ = 	snop;
	(pc) =	sbr.ind lr, $3  }
0x3a: {  	_ = 	snop  }
0x3b: {  	_ = 	snop  }
0x3c: {  	p2 =	seq.s32 s10, $0x1;
	s10 =	sld [smem:$0x3FAE]  }
0x3d: {  	_ =	shalt  }
0x3e: {  	_ =	shalt  }
0x3f: {  	_ =	shalt  }
0x40: {  	_ =	shalt  }
0x41: {  	_ =	shalt  }
0x42: {  	_ =	shalt  }
0x43: {  	_ =	shalt  }
0x44: {  	_ =	shalt  }
0x45: {  	_ =	shalt  }
0x46: {  	_ =	shalt  }
0x47: {  	_ =	shalt  }
0x48: {  	_ =	shalt  }
0x49: {  	_ =	shalt  }
0x4a: {  	_ =	shalt  }
0x4b: {  	_ =	shalt  }
0x4c: {  	_ =	shalt  }
0x4d: {  	_ =	shalt  }
0x4e: {  	_ =	shalt  }
0x4f: {  	_ =	shalt  }
0x50: {  	_ =	shalt  }
0x51: {  	_ =	shalt  }
0x52: {  	_ =	shalt  }
0x53: {  	_ =	shalt  }
0x54: {  	_ =	shalt  }
0x55: {  	_ =	shalt  }
0x56: {  	_ =	shalt  }
0x57: {  	_ =	shalt  }
0x58: {  	_ =	shalt  }
0x59: {  	_ =	shalt  }
0x5a: {  	_ =	shalt  }
0x5b: {  	_ =	shalt  }
0x5c: {  	_ =	shalt  }
0x5d: {  	_ =	shalt  }
0x5e: {  	_ =	shalt  }
0x5f: {  	_ =	shalt  }
0x60: {  	_ =	shalt  }
0x61: {  	_ =	shalt  }
0x62: {  	_ =	shalt  }
0x63: {  	_ =	shalt  }
0x64: {  	_ =	shalt  }
0x65: {  	_ =	shalt  }
0x66: {  	_ =	shalt  }
0x67: {  	_ =	shalt  }
0x68: {  	_ =	shalt  }
0x69: {  	_ =	shalt  }
0x6a: {  	_ =	shalt  }
0x6b: {  	_ =	shalt  }
0x6c: {  	_ =	shalt  }
0x6d: {  	_ =	shalt  }
0x6e: {  	_ =	shalt  }
0x6f: {  	_ =	shalt  }
0x70: {  	_ =	shalt  }
0x71: {  	_ =	shalt  }
0x72: {  	_ =	shalt  }
0x73: {  	_ =	shalt  }
0x74: {  	_ =	shalt  }
0x75: {  	_ =	shalt  }
0x76: {  	_ =	shalt  }
0x77: {  	_ =	shalt  }
0x78: {  	_ =	shalt  }
0x79: {  	_ =	shalt  }
0x7a: {  	_ =	shalt  }
0x7b: {  	_ =	shalt  }
0x7c: {  	_ =	shalt  }
0x7d: {  	_ =	shalt  }
0x7e: {  	_ =	shalt  }
0x7f: {  	_ =	shalt  }
0x80: {  	_ =	shalt  }
0x81: {  	_ =	shalt  }
0x82: {  	_ =	shalt  }
0x83: {  	_ =	shalt  }
0x84: {  	_ =	shalt  }
0x85: {  	_ =	shalt  }
0x86: {  	_ =	shalt  }
0x87: {  	_ =	shalt  }
.Lfunc_end0:
.L_simem_size_0:
called_computation.1_lowered:
.L_overlay_start_0:
0x88: {  	s2 =	sld [smem:$0x3FD9]  }
0x89: {  	s3 =	sld [smem:$0x3FFE];
	_ =	sdelay $0x1  }
0x8a: {  	s1 =	srdreg.scid  }
0x8b: {  	s0 =	sand.u32 $0x1, s1  }
0x8c: {  	s16 =	sshll.u32 s0, $0xA;
	s2 =	sadd.s32 s3, s2  }
0x8d: {  	s2 =	sadd.s32 s2, s16  }
0x8e: {  	[smem:$0x3FBA] =	sst s2  }
0x8f: {  	_ = 	snop  }
0x90: {  	(tm) =	ssettm $0x1  }
0x91: {  	s17 =	sld [smem:$0x3FFB];
	_ =	sdelay $0x3  }
0x92: {  	_ =	strace s17  }
0x93: {  	s2 =	sld [smem:$0x3FFC];
	_ =	sdelay $0x3  }
0x94: {  	_ =	strace s2  }
0x95: {  	s2 =	sld [smem:$0x3FFD];
	_ =	sdelay $0x3  }
0x96: {  	_ =	strace s2  }
0x97: {  	_ =	strace $0x8FFFFFFF  }
0x98: {  	s18 =	sld [smem:$0x3FDB];
	_ =	sdelay $0x1  }
0x99: {  	s19 =	simm.s32 $_scs_section_size  }
0x9a: {  	s4 =	simm.s32 $_size__tile_overlayer_lowered;
	s5 =	simm.s32 $_tile_overlayer_lowered  }
0x9b: {  	s22 =	simm.s32 $0x1BFF;
	s21 =	sshll.u32 s5, $0x1;
	s2 =	sadd.s32 s19, s18  }
0x9c: {  	s6 =	simm.s32 $0x0;
	s20 =	sshll.u32 s4, $0x1;
	s4 =	sadd.s32 s21, s2  }
0x9d: {  	[timem:s6], [sflag:s22] =	dma.local [hbm:s4], s20  }
0x9e: {  	_ =	swait.ge [sflag:s22], s20  }
0x9f: {  	s3 =	ssub.s32 $0x0, s20;
	[sflag:s22] =	ssyncset.done $0x0  }
0xa0: {  	[sflag:s22] =	ssyncadd.s32 s3;
	_ =	sdelay $0x1  }
0xa1: {  	s23 =	simm.s32 $0x1B8B  }
0xa2: {  	_ =	swait.ge [sflag:s23], $0x1  }
0xa3: {  	[sflag:s23] =	ssyncset.done $0x0  }
0xa4: {  	s25 =	simm.s32 $0x1B8E;
	s24 =	sld [smem:$0x3FFE];
	[sflag:s23] =	ssyncadd.s32 $0xFFFFFFFF  }
0xa5: {  	s26 =	simm.s32 $execute0_lowered;
	[smem:$0x3FD2] =	sst s25  }
0xa6: {  	s4 =	sshll.u32 s26, $0x1;
	_ =	strace $0x80000049;
	[dreg:$0x1] =	wrdreg $0xFFFFFFFF  }
0xa7: {  	s28 =	simm.s32 $_size_execute0_lowered;
	s2 =	sadd.s32 s2, s4;
	[dreg:$0x0] =	wrdreg $0x0  }
0xa8: {  	s4 =	sshll.u32 s28, $0x1;
	[dreg:$0x2] =	wrdreg s2  }
0xa9: {  	[dreg:$0x3] =	wrdreg s4  }
0xaa: {  	[dreg:$0x4] =	wrdreg $0xC0  }
0xab: {  	_ =	task [dreg:s6], $0x5FFFF  }
0xac: {  	[dreg:$0x1] =	wrdreg $0xFFFFFFFF  }
0xad: {  	[dreg:$0x0] =	wrdreg $0x60  }
0xae: {  	[dreg:$0x2] =	wrdreg s24  }
0xaf: {  	[dreg:$0x3] =	wrdreg $0x8C000  }
0xb0: {  	[dreg:$0x4] =	wrdreg $0x9  }
0xb1: {  	_ =	task.clear_ibuf [dreg:s6], $0x5FFFF;
	_ =	strace $0x90000049  }
0xb2: {  	s29 =	simm.s32 $0x9;
	_ =	strace $0x8000004B  }
0xb3: {  	_ =	swait.ge [sflag:s29], $0x1  }
0xb4: {  	[sflag:s29] =	ssyncadd.s32 $0xFFFFFFFF  }
0xb5: {  	_ =	strace $0x9000004B  }
0xb6: {  	_ =	sfence  }
0xb7: {  	s30 =	sld [smem:$0x0];
	_ =	sdelay $0x2  }
0xb8: {  	s31 =	sshll.u32 s1, $0xD;
	s1 =	sshrl.u32 s1, $0x2  }
0xb9: {  	s3 =	sand.u32 $0x4000, s31;
	s1 =	sadd.s32 s1, s30  }
0xba: {  	s0 =	sor.u32 s3, s0;
	s1 =	sshll.u32 s1, $0x11  }
0xbb: {  	s0 =	sor.u32 s1, s0  }
0xbc: {  	s0 =	sadd.s32 $0x8F2B, s0  }
0xbd: {  	[sflag:s0] =	ssyncadd.remote.s32 $0x1  }
0xbe: {  	_ =	sfence.sel $0xFFFF  }
0xbf: {  	[dreg:$0x0] =	wrdreg $0xFFFFFFFF;
	(pc) =	sbr.abs _section_cstart, $3  }
0xc0: {  	[dreg:$0x1] =	wrdreg $0xFFFFFFFF  }
0xc1: {  	_ =	task.clear_ibuf [dreg:s6], $0x2FFFF;
	_ =	strace $0x9FFFFFFF  }
0xc2: {  	(tm) =	ssettm $0x7FFFFFFF  }
0xc3: {  	_ =	shalt  }
tec
execute0_lowered:
.L_overlay_start_1:
0x0: {  	(tag) =	ssettag $0x1  }
0x1: {  	s5 =	rddreg [dreg:$0x0];
	s0 =	stileid.u32  }
0x2: {  	s1 =	srdreg.scid;
	s2 =	rddreg [dreg:$0x1]  }
0x3: {  	s14 =	simm.s32 $0x80;
	s15 =	simm.s32 $0x6C00;
	s3 =	smul.u32 $0x34, s0  }
0x4: {  	s16 =	simm.s32 $0x1;
	s17 =	simm.s32 $0x0;
	s4 =	smul.u32 $0x6C, s0  }
0x5: {  	s6 =	sand.u32 $0x1, s1;
	s1 =	rddreg [dreg:$0x2];
	s8 =	smul.u32 $0xA000, s0  }
0x6: {  	s31 =	sshll.u32 s0, $0x6;
	p0 =	seq.s32 s6, $0x0;
	s9 =	smul.u32 $0xA0000, s6  }
0x7: {  	s6 =	ssub.s32 $0x2, s6;
	s7 =	sadd.s32 $0x6C0, s3;
	s3 =	simm.s32 $0x0  }
0x8: {  	s30 =	sshrl.u32 s8, $0x3;
	s11 =	sshrl.u32 s6, $0x1;
	s13 =	sadd.s32 s8, s2  }
0x9: {  	s7 =	smov.u32 @p0 s4;
	[smem:$0x7FF] =	sst s3;
	s4 =	sadd.s32 $0x2200, s5  }
0xa: {  	s9 =	sadd.s32 s8, s9;
	s11 =	ssub.s32 s6, s11;
	s7 =	sshll.u32 s7, $0x4  }
0xb: {  	_ =	strace $0x8000004A;
	s9 =	sshrl.u32 s9, $0x3;
	s10 =	sadd.s32 s7, s5  }
0xc: {  	s7 =	sadd.s32 s30, s5;
	s12 =	sadd.s32 s9, s5;
	s5 =	simm.s32 $0x6C  }
0xd: {  	s11 =	smax.u32 s11, $0x1;
	s5 =	simm.s32 @!p0 $0x34;
	s6 =	sadd.s32 $0x2A200, s7  }
0xe: {  	s7 =	sor.u32 $0x1C02, s31;
	s8 =	sadd.s32 $0x20200, s10;
	s9 =	sadd.s32 $0x16200, s10  }
0xf: {  	s10 =	sadd.s32 $0x3E200, s12;
	s12 =	sshrl.u32 s13, $0x3;
	s13 =	simm.s32 $0x2  }
.LBB2_1:
0x10: {  	[spmem:s12], [sflag:s7] =	dma.local [hbm:s6], $0x1400  }
0x11: {  	_ =	swait.ge [sflag:s13], $0x1400  }
0x12: {  	[sflag:s13] =	ssyncset.done $0x0  }
0x13: {  	[sflag:s13] =	ssyncadd.s32 $0xFFFFEC00  }
0x14: {  	[tilespmem:s3], [sflag:$0x2] =	stream.linear.gather [hbm4b:s8+s3], $0x3600, $0x38;
	[tilespmem:$0x12C00] =	vst v63  }
0x15: {  	_ =	swait.ge [sflag:s13], $0x3600  }
0x16: {  	[sflag:s13] =	ssyncset.done $0x0  }
0x17: {  	s18 =	simm.s32 $0x3600;
	[sflag:s13] =	ssyncadd.s32 $0xFFFFCA00  }
0x18: {  	[tilespmem:s18], [sflag:$0x2] =	stream.linear.gather [hbm4b:s9+s3], $0x3600, $0x38;
	[tilespmem:$0x12C00] =	vst v63  }
0x19: {  	_ =	swait.ge [sflag:s13], $0x3600  }
0x1a: {  	[sflag:s13] =	ssyncset.done $0x0  }
0x1b: {  	[sflag:s13] =	ssyncadd.s32 $0xFFFFCA00  }
0x1c: {  	[bflag:$0x0] =	sbarrier.arrive $0xFFFF  }
0x1d: {  	[tilespmem:s15], [sflag:$0x1] =	stream.indirect.gather [hbm4b:s4+s14], $0x40, s3, s14, $0xb8;
	[tilespmem:$0x12C00] =	vst v63  }
0x1e: {  	p0 =	sne.s32 s5, $0x1;
	_ =	swait.ge [sflag:s16], $0x2000  }
.Ltmp0:
0x1f: {  	[sflag:s16] =	ssyncset.done $0x0;
	(pc) =	sbr.rel @!p0 .LBB2_3-.Ltmp0, $4  }
0x20: {  	[sflag:s16] =	ssyncadd.s32 $0xFFFFE000  }
0x21: {  	[spmem:s2] =	stream.indirect.scatter.add.f32 [tilespmem:s15], [sflag:$0x2], $0x40, s18, s14, $0xb8;
	[tilespmem:$0x12C00] =	vst v63  }
0x22: {  	_ =	swait.ge [sflag:s13], $0x2000  }
0x23: {  	s19 =	sadd.s32 $0xFFFFFFFF, s5;
	s20 =	simm.s32 $0x0;
	[sflag:s13] =	ssyncset.done $0x0  }
.LBB2_2:
0x24: {  	[sflag:s13] =	ssyncadd.s32 $0xFFFFE000;
	s20 =	sadd.s32 $0x80, s20;
	s18 =	sadd.s32 $0x80, s18  }
0x25: {  	[tilespmem:s15], [sflag:$0x1] =	stream.indirect.gather [hbm4b:s4+s14], $0x40, s20, s14, $0xb8;
	[tilespmem:$0x12C00] =	vst v63  }
0x26: {  	p0 =	sne.s32 s19, $0x1;
	s19 =	sadd.s32 $0xFFFFFFFF, s19;
	_ =	swait.ge [sflag:s16], $0x2000  }
.Ltmp1:
0x27: {  	[sflag:s16] =	ssyncset.done $0x0;
	(pc) =	sbr.rel @p0 .LBB2_2-.Ltmp1, $4  }
0x28: {  	[sflag:s16] =	ssyncadd.s32 $0xFFFFE000  }
0x29: {  	[spmem:s2] =	stream.indirect.scatter.add.f32 [tilespmem:s15], [sflag:$0x2], $0x40, s18, s14, $0xb8;
	[tilespmem:$0x12C00] =	vst v63  }
0x2a: {  	_ =	swait.ge [sflag:s13], $0x2000  }
0x2b: {  	[sflag:s13] =	ssyncset.done $0x0  }
.LBB2_3:
0x2c: {  	s17 =	sadd.s32 $0x1, s17  }
0x2d: {  	[sflag:s13] =	ssyncadd.s32 $0xFFFFE000;
	p0 =	sne.s32 s17, s11  }
.Ltmp2:
0x2e: {  	[bflag:$0x0] =	sbarrier.arrive $0xFFFF;
	(pc) =	sbr.rel @p0 .LBB2_1-.Ltmp2, $4  }
0x2f: {  	[hbm:s10], [sflag:s7] =	dma.local [spmem:s12], $0x1400  }
0x30: {  	_ =	swait.ge [sflag:s13], $0x1400  }
0x31: {  	[sflag:s13] =	ssyncset.done $0x0  }
0x32: {  	[sflag:s13] =	ssyncadd.s32 $0xFFFFEC00  }
0x33: {  	_ =	sfence.sel $0x180000  }
0x34: {  	[bflag:$0x0] =	sbarrier.arrive $0xFFFF  }
0x35: {  	p0 =	sne.s32 s0, $0x0;
	_ =	strace $0x9000004A  }
0x36: {  	s0 =	sadd.s32 @!p0 $0x100000, s1;
	[bflag:$0x2] =	sbarrier.arrive $0xFFFF  }
0x37: {  	[sflag:s0] =	ssyncadd.tile.s32 @!p0 $0x1;
	_ =	shalt  }
.Lfunc_end2:
_tile_overlayer_lowered:
.L_overlay_start_2:
0x38: {  	(tag) =	ssettag $0x2  }
0x39: {  	s0 =	rddreg [dreg:$0x0];
	s2 =	stileid.u32  }
0x3a: {  	s1 =	rddreg [dreg:$0x1];
	p0 =	sne.s32 s2, $0x0  }
0x3b: {  	s3 =	rddreg [dreg:$0x2];
	[bflag:$0x3] =	sbarrier.arrive $0xFFFF;
	s2 =	simm.s32 @!p0 $0x1C02  }
0x3c: {  	[timem:s3], [sflag:s2] =	dma.local @!p0 [hbm:s0], s1  }
0x3d: {  	s0 =	simm.s32 @!p0 $0x2  }
0x3e: {  	_ =	swait.ge @!p0 [sflag:s0], s1  }
0x3f: {  	s1 =	ssub.s32 @!p0 $0x0, s1;
	[sflag:s0] =	ssyncset.done @!p0 $0x0  }
0x40: {  	[sflag:s0] =	ssyncadd.s32 @!p0 s1  }
0x41: {  	[bflag:$0x3] =	sbarrier.arrive $0xFFFF  }
0x42: {  	_ =	shalt  }

// kernel: kernel.15.cloned.1.call-start
scs
__scs_entry_jumppad:
0x0: {  	(pc) =	sbr.rel $0x88, $3  }
0x1: {  	(tag) =	ssettag $0x0;
	lr =	simm.s32 $0x1  }
0x2: {  	[smem:$0x3F93] =	sst lr;
	_ =	strace $0xD0000000  }
0x3: {  	_ = 	snop  }
0x4: {  	_ = 	snop  }
0x5: {  	_ = 	snop  }
0x6: {  	_ = 	snop  }
0x7: {  	_ = 	snop  }
__scs_overlays_trampoline_lowered:
0x8: {  	[smem:$0x3FA2] =	sst s0  }
0x9: {  	[smem:$0x3FA3] =	sst s1  }
0xa: {  	[smem:$0x3FA4] =	sst s2  }
0xb: {  	[smem:$0x3FA5] =	sst s3  }
0xc: {  	[smem:$0x3FA6] =	sst s4  }
0xd: {  	[smem:$0x3FA7] =	sst s5  }
0xe: {  	[smem:$0x3FA8] =	sst s6  }
0xf: {  	[smem:$0x3FA9] =	sst s7  }
0x10: {  	[smem:$0x3FAA] =	sst s8  }
0x11: {  	[smem:$0x3FAB] =	sst s9;
	s0 =	simm.s32 @!p0 $0x0  }
0x12: {  	s1 =	sld [smem:$0x3F91];
	s0 =	simm.s32 @p0 $0x1  }
0x13: {  	[smem:$0x3FAC] =	sst s0;
	s0 =	simm.s32 @!p1 $0x0  }
0x14: {  	s2 =	sld [smem:$0x3F90];
	s0 =	simm.s32 @p1 $0x1  }
0x15: {  	[smem:$0x3FAD] =	sst s0;
	s0 =	simm.s32 @!p2 $0x0  }
0x16: {  	s3 =	sld [smem:$0x3FDB];
	s0 =	simm.s32 @p2 $0x1  }
0x17: {  	s4 =	simm.s32 $0x1BF5;
	[smem:$0x3FAF] =	sst s0  }
0x18: {  	s0 =	sld [smem:$0x3F92];
	_ =	swait.ge [sflag:s4], $0x0  }
0x19: {  	s7 =	sld [smem:$0x3F93]  }
0x1a: {  	s8 =	sadd.s32 $0xFFFFE003, lr  }
0x1b: {  	s9 =	sadd.s32 $0xFFFFFEF7, lr;
	s5 =	simm.s32 $0xFFFFFFFF;
	p2 =	slt.u32 s8, $0xFFFFF086  }
0x1c: {  	p1 =	slt.u32 s9, $0xF7A;
	s5 =	simm.s32 @!p2 $0x0  }
0x1d: {  	s5 =	simm.s32 @p1 $0x1;
	p0 =	seq.s32 s7, s2  }
0x1e: {  	s7 =	smul.u32 @!p0 $0xF7A, s2;
	p2 =	seq.s32 @!p0 s5, $0x0  }
0x1f: {  	s9 =	smul.u32 $0xF7A, s1;
	s8 =	simm.s32 @!p0 $0x1BF5;
	p2 =	por !p2, p0  }
0x20: {  	[sflag:s8] =	ssyncset.s32 @!p0 $0xFFFFF086;
	s6 =	sadd.s32 @!p0 s3, s7;
	s7 =	simm.s32 @!p0 $0x108  }
0x21: {  	s3 =	sadd.s32 s3, s9;
	s6 =	sadd.s32 @!p0 $0x88, s6;
	s7 =	simm.s32 @p2 $0x1082  }
0x22: {  	[simem:s7], [sflag:s8] =	dma.local @!p0 [hbm:s6], $0xF7A  }
0x23: {  	s9 =	sor.u32 $0xD0000000, s2;
	s6 =	simm.s32 $0x108;
	_ =	swait.ge @!p0 [sflag:s8], $0x0  }
0x24: {  	s3 =	sadd.s32 $0x88, s3;
	s6 =	simm.s32 @!p1 $0x1082;
	[sflag:s4] =	ssyncset.s32 $0xFFFFF086  }
0x25: {  	[simem:s6], [sflag:s4] =	dma.local [hbm:s3], $0xF7A  }
0x26: {  	[smem:$0x3F93] =	sst s1;
	(tag) =	ssettag s2;
	_ =	strace s9  }
0x27: {  	s1 =	sld [smem:$0x3FA3]  }
0x28: {  	s2 =	sld [smem:$0x3FA4]  }
0x29: {  	s4 =	sld [smem:$0x3FA6]  }
0x2a: {  	p0 =	seq.s32 s5, $0x0;
	s5 =	sld [smem:$0x3FA7]  }
0x2b: {  	s6 =	sld [smem:$0x3FA8]  }
0x2c: {  	s7 =	sld [smem:$0x3FA9]  }
0x2d: {  	s3 =	simm.s32 $0x108;
	s8 =	sld [smem:$0x3FAA]  }
0x2e: {  	s3 =	simm.s32 @!p0 $0x1082;
	s9 =	sld [smem:$0x3FAB]  }
0x2f: {  	lr =	sadd.s32 s0, s3;
	s0 =	sld [smem:$0x3FA2]  }
0x30: {  	s3 =	sld [smem:$0x3FA5]  }
0x31: {  	[smem:$0x3FAE] =	sst s10  }
0x32: {  	s10 =	sld [smem:$0x3FAC];
	_ =	sdelay $0x3  }
0x33: {  	p0 =	seq.s32 s10, $0x1;
	s10 =	sld [smem:$0x3FAE];
	_ =	sdelay $0x3  }
0x34: {  	[smem:$0x3FAE] =	sst s10  }
0x35: {  	s10 =	sld [smem:$0x3FAD];
	_ =	sdelay $0x3  }
0x36: {  	p1 =	seq.s32 s10, $0x1;
	s10 =	sld [smem:$0x3FAE];
	_ =	sdelay $0x3  }
0x37: {  	[smem:$0x3FAE] =	sst s10  }
0x38: {  	s10 =	sld [smem:$0x3FAF]  }
0x39: {  	_ = 	snop;
	(pc) =	sbr.ind lr, $3  }
0x3a: {  	_ = 	snop  }
0x3b: {  	_ = 	snop  }
0x3c: {  	p2 =	seq.s32 s10, $0x1;
	s10 =	sld [smem:$0x3FAE]  }
0x3d: {  	_ =	shalt  }
0x3e: {  	_ =	shalt  }
0x3f: {  	_ =	shalt  }
0x40: {  	_ =	shalt  }
0x41: {  	_ =	shalt  }
0x42: {  	_ =	shalt  }
0x43: {  	_ =	shalt  }
0x44: {  	_ =	shalt  }
0x45: {  	_ =	shalt  }
0x46: {  	_ =	shalt  }
0x47: {  	_ =	shalt  }
0x48: {  	_ =	shalt  }
0x49: {  	_ =	shalt  }
0x4a: {  	_ =	shalt  }
0x4b: {  	_ =	shalt  }
0x4c: {  	_ =	shalt  }
0x4d: {  	_ =	shalt  }
0x4e: {  	_ =	shalt  }
0x4f: {  	_ =	shalt  }
0x50: {  	_ =	shalt  }
0x51: {  	_ =	shalt  }
0x52: {  	_ =	shalt  }
0x53: {  	_ =	shalt  }
0x54: {  	_ =	shalt  }
0x55: {  	_ =	shalt  }
0x56: {  	_ =	shalt  }
0x57: {  	_ =	shalt  }
0x58: {  	_ =	shalt  }
0x59: {  	_ =	shalt  }
0x5a: {  	_ =	shalt  }
0x5b: {  	_ =	shalt  }
0x5c: {  	_ =	shalt  }
0x5d: {  	_ =	shalt  }
0x5e: {  	_ =	shalt  }
0x5f: {  	_ =	shalt  }
0x60: {  	_ =	shalt  }
0x61: {  	_ =	shalt  }
0x62: {  	_ =	shalt  }
0x63: {  	_ =	shalt  }
0x64: {  	_ =	shalt  }
0x65: {  	_ =	shalt  }
0x66: {  	_ =	shalt  }
0x67: {  	_ =	shalt  }
0x68: {  	_ =	shalt  }
0x69: {  	_ =	shalt  }
0x6a: {  	_ =	shalt  }
0x6b: {  	_ =	shalt  }
0x6c: {  	_ =	shalt  }
0x6d: {  	_ =	shalt  }
0x6e: {  	_ =	shalt  }
0x6f: {  	_ =	shalt  }
0x70: {  	_ =	shalt  }
0x71: {  	_ =	shalt  }
0x72: {  	_ =	shalt  }
0x73: {  	_ =	shalt  }
0x74: {  	_ =	shalt  }
0x75: {  	_ =	shalt  }
0x76: {  	_ =	shalt  }
0x77: {  	_ =	shalt  }
0x78: {  	_ =	shalt  }
0x79: {  	_ =	shalt  }
0x7a: {  	_ =	shalt  }
0x7b: {  	_ =	shalt  }
0x7c: {  	_ =	shalt  }
0x7d: {  	_ =	shalt  }
0x7e: {  	_ =	shalt  }
0x7f: {  	_ =	shalt  }
0x80: {  	_ =	shalt  }
0x81: {  	_ =	shalt  }
0x82: {  	_ =	shalt  }
0x83: {  	_ =	shalt  }
0x84: {  	_ =	shalt  }
0x85: {  	_ =	shalt  }
0x86: {  	_ =	shalt  }
0x87: {  	_ =	shalt  }
.Lfunc_end0:
.L_simem_size_0:
called_computation.2_lowered:
.L_overlay_start_0:
0x88: {  	s2 =	sld [smem:$0x3FD9]  }
0x89: {  	s3 =	sld [smem:$0x3FFE];
	_ =	sdelay $0x1  }
0x8a: {  	s1 =	srdreg.scid  }
0x8b: {  	s0 =	sand.u32 $0x1, s1  }
0x8c: {  	s16 =	sshll.u32 s0, $0xA;
	s2 =	sadd.s32 s3, s2  }
0x8d: {  	s2 =	sadd.s32 s2, s16  }
0x8e: {  	[smem:$0x3FBA] =	sst s2  }
0x8f: {  	_ = 	snop  }
0x90: {  	(tm) =	ssettm $0x1  }
0x91: {  	s17 =	sld [smem:$0x3FFB];
	_ =	sdelay $0x3  }
0x92: {  	_ =	strace s17  }
0x93: {  	s2 =	sld [smem:$0x3FFC];
	_ =	sdelay $0x3  }
0x94: {  	_ =	strace s2  }
0x95: {  	s2 =	sld [smem:$0x3FFD];
	_ =	sdelay $0x3  }
0x96: {  	_ =	strace s2  }
0x97: {  	_ =	strace $0x8FFFFFFF  }
0x98: {  	s18 =	sld [smem:$0x3FDB];
	_ =	sdelay $0x1  }
0x99: {  	s19 =	simm.s32 $_scs_section_size  }
0x9a: {  	s4 =	simm.s32 $_size__tile_overlayer_lowered;
	s5 =	simm.s32 $_tile_overlayer_lowered  }
0x9b: {  	s22 =	simm.s32 $0x1BFF;
	s21 =	sshll.u32 s5, $0x1;
	s2 =	sadd.s32 s19, s18  }
0x9c: {  	s6 =	simm.s32 $0x0;
	s20 =	sshll.u32 s4, $0x1;
	s4 =	sadd.s32 s21, s2  }
0x9d: {  	[timem:s6], [sflag:s22] =	dma.local [hbm:s4], s20  }
0x9e: {  	_ =	swait.ge [sflag:s22], s20  }
0x9f: {  	s3 =	ssub.s32 $0x0, s20;
	[sflag:s22] =	ssyncset.done $0x0  }
0xa0: {  	[sflag:s22] =	ssyncadd.s32 s3;
	_ =	sdelay $0x1  }
0xa1: {  	s23 =	simm.s32 $0x1B8B  }
0xa2: {  	_ =	swait.ge [sflag:s23], $0x1  }
0xa3: {  	[sflag:s23] =	ssyncset.done $0x0  }
0xa4: {  	s25 =	simm.s32 $0x1B8E;
	s24 =	sld [smem:$0x3FFE];
	[sflag:s23] =	ssyncadd.s32 $0xFFFFFFFF  }
0xa5: {  	s26 =	simm.s32 $execute0_lowered;
	[smem:$0x3FD2] =	sst s25  }
0xa6: {  	s4 =	sshll.u32 s26, $0x1;
	_ =	strace $0x8000004C;
	[dreg:$0x1] =	wrdreg $0xFFFFFFFF  }
0xa7: {  	s28 =	simm.s32 $_size_execute0_lowered;
	s2 =	sadd.s32 s2, s4;
	[dreg:$0x0] =	wrdreg $0x0  }
0xa8: {  	s4 =	sshll.u32 s28, $0x1;
	[dreg:$0x2] =	wrdreg s2  }
0xa9: {  	[dreg:$0x3] =	wrdreg s4  }
0xaa: {  	[dreg:$0x4] =	wrdreg $0xC0  }
0xab: {  	_ =	task [dreg:s6], $0x5FFFF  }
0xac: {  	[dreg:$0x1] =	wrdreg $0xFFFFFFFF  }
0xad: {  	[dreg:$0x0] =	wrdreg $0x60  }
0xae: {  	[dreg:$0x2] =	wrdreg s24  }
0xaf: {  	[dreg:$0x3] =	wrdreg $0x8C000  }
0xb0: {  	[dreg:$0x4] =	wrdreg $0x9  }
0xb1: {  	_ =	task.clear_ibuf [dreg:s6], $0x5FFFF;
	_ =	strace $0x9000004C  }
0xb2: {  	s29 =	simm.s32 $0x9;
	_ =	strace $0x8000004E  }
0xb3: {  	_ =	swait.ge [sflag:s29], $0x1  }
0xb4: {  	[sflag:s29] =	ssyncadd.s32 $0xFFFFFFFF  }
0xb5: {  	_ =	strace $0x9000004E  }
0xb6: {  	_ =	sfence  }
0xb7: {  	s30 =	sld [smem:$0x0];
	_ =	sdelay $0x2  }
0xb8: {  	s31 =	sshll.u32 s1, $0xD;
	s1 =	sshrl.u32 s1, $0x2  }
0xb9: {  	s3 =	sand.u32 $0x4000, s31;
	s1 =	sadd.s32 s1, s30  }
0xba: {  	s0 =	sor.u32 s3, s0;
	s1 =	sshll.u32 s1, $0x11  }
0xbb: {  	s0 =	sor.u32 s1, s0  }
0xbc: {  	s0 =	sadd.s32 $0x8F2B, s0  }
0xbd: {  	[sflag:s0] =	ssyncadd.remote.s32 $0x1  }
0xbe: {  	_ =	sfence.sel $0xFFFF  }
0xbf: {  	[dreg:$0x0] =	wrdreg $0xFFFFFFFF;
	(pc) =	sbr.abs _section_cstart, $3  }
0xc0: {  	[dreg:$0x1] =	wrdreg $0xFFFFFFFF  }
0xc1: {  	_ =	task.clear_ibuf [dreg:s6], $0x2FFFF;
	_ =	strace $0x9FFFFFFF  }
0xc2: {  	(tm) =	ssettm $0x7FFFFFFF  }
0xc3: {  	_ =	shalt  }
tec
execute0_lowered:
.L_overlay_start_1:
0x0: {  	(tag) =	ssettag $0x1  }
0x1: {  	s5 =	rddreg [dreg:$0x0];
	s0 =	stileid.u32  }
0x2: {  	s1 =	srdreg.scid;
	s2 =	rddreg [dreg:$0x1]  }
0x3: {  	s14 =	simm.s32 $0x80;
	s15 =	simm.s32 $0x6C00;
	s3 =	smul.u32 $0x34, s0  }
0x4: {  	s16 =	simm.s32 $0x1;
	s17 =	simm.s32 $0x0;
	s4 =	smul.u32 $0x6C, s0  }
0x5: {  	s6 =	sand.u32 $0x1, s1;
	s1 =	rddreg [dreg:$0x2];
	s8 =	smul.u32 $0xA000, s0  }
0x6: {  	s31 =	sshll.u32 s0, $0x6;
	p0 =	seq.s32 s6, $0x0;
	s9 =	smul.u32 $0xA0000, s6  }
0x7: {  	s6 =	ssub.s32 $0x2, s6;
	s7 =	sadd.s32 $0x6C0, s3;
	s3 =	simm.s32 $0x0  }
0x8: {  	s30 =	sshrl.u32 s8, $0x3;
	s11 =	sshrl.u32 s6, $0x1;
	s13 =	sadd.s32 s8, s2  }
0x9: {  	s7 =	smov.u32 @p0 s4;
	[smem:$0x7FF] =	sst s3;
	s4 =	sadd.s32 $0x2200, s5  }
0xa: {  	s9 =	sadd.s32 s8, s9;
	s11 =	ssub.s32 s6, s11;
	s7 =	sshll.u32 s7, $0x4  }
0xb: {  	_ =	strace $0x8000004D;
	s9 =	sshrl.u32 s9, $0x3;
	s10 =	sadd.s32 s7, s5  }
0xc: {  	s7 =	sadd.s32 s30, s5;
	s12 =	sadd.s32 s9, s5;
	s5 =	simm.s32 $0x6C  }
0xd: {  	s11 =	smax.u32 s11, $0x1;
	s5 =	simm.s32 @!p0 $0x34;
	s6 =	sadd.s32 $0x2A200, s7  }
0xe: {  	s7 =	sor.u32 $0x1C02, s31;
	s8 =	sadd.s32 $0x20200, s10;
	s9 =	sadd.s32 $0x16200, s10  }
0xf: {  	s10 =	sadd.s32 $0x3E200, s12;
	s12 =	sshrl.u32 s13, $0x3;
	s13 =	simm.s32 $0x2  }
.LBB2_1:
0x10: {  	[spmem:s12], [sflag:s7] =	dma.local [hbm:s6], $0x1400  }
0x11: {  	_ =	swait.ge [sflag:s13], $0x1400  }
0x12: {  	[sflag:s13] =	ssyncset.done $0x0  }
0x13: {  	[sflag:s13] =	ssyncadd.s32 $0xFFFFEC00  }
0x14: {  	[tilespmem:s3], [sflag:$0x2] =	stream.linear.gather [hbm4b:s8+s3], $0x3600, $0x38;
	[tilespmem:$0x12C00] =	vst v63  }
0x15: {  	_ =	swait.ge [sflag:s13], $0x3600  }
0x16: {  	[sflag:s13] =	ssyncset.done $0x0  }
0x17: {  	s18 =	simm.s32 $0x3600;
	[sflag:s13] =	ssyncadd.s32 $0xFFFFCA00  }
0x18: {  	[tilespmem:s18], [sflag:$0x2] =	stream.linear.gather [hbm4b:s9+s3], $0x3600, $0x38;
	[tilespmem:$0x12C00] =	vst v63  }
0x19: {  	_ =	swait.ge [sflag:s13], $0x3600  }
0x1a: {  	[sflag:s13] =	ssyncset.done $0x0  }
0x1b: {  	[sflag:s13] =	ssyncadd.s32 $0xFFFFCA00  }
0x1c: {  	[bflag:$0x0] =	sbarrier.arrive $0xFFFF  }
0x1d: {  	[tilespmem:s15], [sflag:$0x1] =	stream.indirect.gather [hbm4b:s4+s14], $0x40, s3, s14, $0xb8;
	[tilespmem:$0x12C00] =	vst v63  }
0x1e: {  	p0 =	sne.s32 s5, $0x1;
	_ =	swait.ge [sflag:s16], $0x2000  }
.Ltmp0:
0x1f: {  	[sflag:s16] =	ssyncset.done $0x0;
	(pc) =	sbr.rel @!p0 .LBB2_3-.Ltmp0, $4  }
0x20: {  	[sflag:s16] =	ssyncadd.s32 $0xFFFFE000  }
0x21: {  	[spmem:s2] =	stream.indirect.scatter.add.f32 [tilespmem:s15], [sflag:$0x2], $0x40, s18, s14, $0xb8;
	[tilespmem:$0x12C00] =	vst v63  }
0x22: {  	_ =	swait.ge [sflag:s13], $0x2000  }
0x23: {  	s19 =	sadd.s32 $0xFFFFFFFF, s5;
	s20 =	simm.s32 $0x0;
	[sflag:s13] =	ssyncset.done $0x0  }
.LBB2_2:
0x24: {  	[sflag:s13] =	ssyncadd.s32 $0xFFFFE000;
	s20 =	sadd.s32 $0x80, s20;
	s18 =	sadd.s32 $0x80, s18  }
0x25: {  	[tilespmem:s15], [sflag:$0x1] =	stream.indirect.gather [hbm4b:s4+s14], $0x40, s20, s14, $0xb8;
	[tilespmem:$0x12C00] =	vst v63  }
0x26: {  	p0 =	sne.s32 s19, $0x1;
	s19 =	sadd.s32 $0xFFFFFFFF, s19;
	_ =	swait.ge [sflag:s16], $0x2000  }
.Ltmp1:
0x27: {  	[sflag:s16] =	ssyncset.done $0x0;
	(pc) =	sbr.rel @p0 .LBB2_2-.Ltmp1, $4  }
0x28: {  	[sflag:s16] =	ssyncadd.s32 $0xFFFFE000  }
0x29: {  	[spmem:s2] =	stream.indirect.scatter.add.f32 [tilespmem:s15], [sflag:$0x2], $0x40, s18, s14, $0xb8;
	[tilespmem:$0x12C00] =	vst v63  }
0x2a: {  	_ =	swait.ge [sflag:s13], $0x2000  }
0x2b: {  	[sflag:s13] =	ssyncset.done $0x0  }
.LBB2_3:
0x2c: {  	s17 =	sadd.s32 $0x1, s17  }
0x2d: {  	[sflag:s13] =	ssyncadd.s32 $0xFFFFE000;
	p0 =	sne.s32 s17, s11  }
.Ltmp2:
0x2e: {  	[bflag:$0x0] =	sbarrier.arrive $0xFFFF;
	(pc) =	sbr.rel @p0 .LBB2_1-.Ltmp2, $4  }
0x2f: {  	[hbm:s10], [sflag:s7] =	dma.local [spmem:s12], $0x1400  }
0x30: {  	_ =	swait.ge [sflag:s13], $0x1400  }
0x31: {  	[sflag:s13] =	ssyncset.done $0x0  }
0x32: {  	[sflag:s13] =	ssyncadd.s32 $0xFFFFEC00  }
0x33: {  	_ =	sfence.sel $0x180000  }
0x34: {  	[bflag:$0x0] =	sbarrier.arrive $0xFFFF  }
0x35: {  	p0 =	sne.s32 s0, $0x0;
	_ =	strace $0x9000004D  }
0x36: {  	s0 =	sadd.s32 @!p0 $0x100000, s1;
	[bflag:$0x2] =	sbarrier.arrive $0xFFFF  }
0x37: {  	[sflag:s0] =	ssyncadd.tile.s32 @!p0 $0x1;
	_ =	shalt  }
.Lfunc_end2:
_tile_overlayer_lowered:
.L_overlay_start_2:
0x38: {  	(tag) =	ssettag $0x2  }
0x39: {  	s0 =	rddreg [dreg:$0x0];
	s2 =	stileid.u32  }
0x3a: {  	s1 =	rddreg [dreg:$0x1];
	p0 =	sne.s32 s2, $0x0  }
0x3b: {  	s3 =	rddreg [dreg:$0x2];
	[bflag:$0x3] =	sbarrier.arrive $0xFFFF;
	s2 =	simm.s32 @!p0 $0x1C02  }
0x3c: {  	[timem:s3], [sflag:s2] =	dma.local @!p0 [hbm:s0], s1  }
0x3d: {  	s0 =	simm.s32 @!p0 $0x2  }
0x3e: {  	_ =	swait.ge @!p0 [sflag:s0], s1  }
0x3f: {  	s1 =	ssub.s32 @!p0 $0x0, s1;
	[sflag:s0] =	ssyncset.done @!p0 $0x0  }
0x40: {  	[sflag:s0] =	ssyncadd.s32 @!p0 s1  }
0x41: {  	[bflag:$0x3] =	sbarrier.arrive $0xFFFF  }
0x42: {  	_ =	shalt  }

// kernel: kernel.9.cloned.1.call-start
scs
__scs_entry_jumppad:
0x0: {  	(pc) =	sbr.rel $0x88, $3  }
0x1: {  	(tag) =	ssettag $0x0;
	lr =	simm.s32 $0x1  }
0x2: {  	[smem:$0x3F93] =	sst lr;
	_ =	strace $0xD0000000  }
0x3: {  	_ = 	snop  }
0x4: {  	_ = 	snop  }
0x5: {  	_ = 	snop  }
0x6: {  	_ = 	snop  }
0x7: {  	_ = 	snop  }
__scs_overlays_trampoline_lowered:
0x8: {  	[smem:$0x3FA2] =	sst s0  }
0x9: {  	[smem:$0x3FA3] =	sst s1  }
0xa: {  	[smem:$0x3FA4] =	sst s2  }
0xb: {  	[smem:$0x3FA5] =	sst s3  }
0xc: {  	[smem:$0x3FA6] =	sst s4  }
0xd: {  	[smem:$0x3FA7] =	sst s5  }
0xe: {  	[smem:$0x3FA8] =	sst s6  }
0xf: {  	[smem:$0x3FA9] =	sst s7  }
0x10: {  	[smem:$0x3FAA] =	sst s8  }
0x11: {  	[smem:$0x3FAB] =	sst s9;
	s0 =	simm.s32 @!p0 $0x0  }
0x12: {  	s1 =	sld [smem:$0x3F91];
	s0 =	simm.s32 @p0 $0x1  }
0x13: {  	[smem:$0x3FAC] =	sst s0;
	s0 =	simm.s32 @!p1 $0x0  }
0x14: {  	s2 =	sld [smem:$0x3F90];
	s0 =	simm.s32 @p1 $0x1  }
0x15: {  	[smem:$0x3FAD] =	sst s0;
	s0 =	simm.s32 @!p2 $0x0  }
0x16: {  	s3 =	sld [smem:$0x3FDB];
	s0 =	simm.s32 @p2 $0x1  }
0x17: {  	s4 =	simm.s32 $0x1BF5;
	[smem:$0x3FAF] =	sst s0  }
0x18: {  	s0 =	sld [smem:$0x3F92];
	_ =	swait.ge [sflag:s4], $0x0  }
0x19: {  	s7 =	sld [smem:$0x3F93]  }
0x1a: {  	s8 =	sadd.s32 $0xFFFFE003, lr  }
0x1b: {  	s9 =	sadd.s32 $0xFFFFFEF7, lr;
	s5 =	simm.s32 $0xFFFFFFFF;
	p2 =	slt.u32 s8, $0xFFFFF086  }
0x1c: {  	p1 =	slt.u32 s9, $0xF7A;
	s5 =	simm.s32 @!p2 $0x0  }
0x1d: {  	s5 =	simm.s32 @p1 $0x1;
	p0 =	seq.s32 s7, s2  }
0x1e: {  	s7 =	smul.u32 @!p0 $0xF7A, s2;
	p2 =	seq.s32 @!p0 s5, $0x0  }
0x1f: {  	s9 =	smul.u32 $0xF7A, s1;
	s8 =	simm.s32 @!p0 $0x1BF5;
	p2 =	por !p2, p0  }
0x20: {  	[sflag:s8] =	ssyncset.s32 @!p0 $0xFFFFF086;
	s6 =	sadd.s32 @!p0 s3, s7;
	s7 =	simm.s32 @!p0 $0x108  }
0x21: {  	s3 =	sadd.s32 s3, s9;
	s6 =	sadd.s32 @!p0 $0x88, s6;
	s7 =	simm.s32 @p2 $0x1082  }
0x22: {  	[simem:s7], [sflag:s8] =	dma.local @!p0 [hbm:s6], $0xF7A  }
0x23: {  	s9 =	sor.u32 $0xD0000000, s2;
	s6 =	simm.s32 $0x108;
	_ =	swait.ge @!p0 [sflag:s8], $0x0  }
0x24: {  	s3 =	sadd.s32 $0x88, s3;
	s6 =	simm.s32 @!p1 $0x1082;
	[sflag:s4] =	ssyncset.s32 $0xFFFFF086  }
0x25: {  	[simem:s6], [sflag:s4] =	dma.local [hbm:s3], $0xF7A  }
0x26: {  	[smem:$0x3F93] =	sst s1;
	(tag) =	ssettag s2;
	_ =	strace s9  }
0x27: {  	s1 =	sld [smem:$0x3FA3]  }
0x28: {  	s2 =	sld [smem:$0x3FA4]  }
0x29: {  	s4 =	sld [smem:$0x3FA6]  }
0x2a: {  	p0 =	seq.s32 s5, $0x0;
	s5 =	sld [smem:$0x3FA7]  }
0x2b: {  	s6 =	sld [smem:$0x3FA8]  }
0x2c: {  	s7 =	sld [smem:$0x3FA9]  }
0x2d: {  	s3 =	simm.s32 $0x108;
	s8 =	sld [smem:$0x3FAA]  }
0x2e: {  	s3 =	simm.s32 @!p0 $0x1082;
	s9 =	sld [smem:$0x3FAB]  }
0x2f: {  	lr =	sadd.s32 s0, s3;
	s0 =	sld [smem:$0x3FA2]  }
0x30: {  	s3 =	sld [smem:$0x3FA5]  }
0x31: {  	[smem:$0x3FAE] =	sst s10  }
0x32: {  	s10 =	sld [smem:$0x3FAC];
	_ =	sdelay $0x3  }
0x33: {  	p0 =	seq.s32 s10, $0x1;
	s10 =	sld [smem:$0x3FAE];
	_ =	sdelay $0x3  }
0x34: {  	[smem:$0x3FAE] =	sst s10  }
0x35: {  	s10 =	sld [smem:$0x3FAD];
	_ =	sdelay $0x3  }
0x36: {  	p1 =	seq.s32 s10, $0x1;
	s10 =	sld [smem:$0x3FAE];
	_ =	sdelay $0x3  }
0x37: {  	[smem:$0x3FAE] =	sst s10  }
0x38: {  	s10 =	sld [smem:$0x3FAF]  }
0x39: {  	_ = 	snop;
	(pc) =	sbr.ind lr, $3  }
0x3a: {  	_ = 	snop  }
0x3b: {  	_ = 	snop  }
0x3c: {  	p2 =	seq.s32 s10, $0x1;
	s10 =	sld [smem:$0x3FAE]  }
0x3d: {  	_ =	shalt  }
0x3e: {  	_ =	shalt  }
0x3f: {  	_ =	shalt  }
0x40: {  	_ =	shalt  }
0x41: {  	_ =	shalt  }
0x42: {  	_ =	shalt  }
0x43: {  	_ =	shalt  }
0x44: {  	_ =	shalt  }
0x45: {  	_ =	shalt  }
0x46: {  	_ =	shalt  }
0x47: {  	_ =	shalt  }
0x48: {  	_ =	shalt  }
0x49: {  	_ =	shalt  }
0x4a: {  	_ =	shalt  }
0x4b: {  	_ =	shalt  }
0x4c: {  	_ =	shalt  }
0x4d: {  	_ =	shalt  }
0x4e: {  	_ =	shalt  }
0x4f: {  	_ =	shalt  }
0x50: {  	_ =	shalt  }
0x51: {  	_ =	shalt  }
0x52: {  	_ =	shalt  }
0x53: {  	_ =	shalt  }
0x54: {  	_ =	shalt  }
0x55: {  	_ =	shalt  }
0x56: {  	_ =	shalt  }
0x57: {  	_ =	shalt  }
0x58: {  	_ =	shalt  }
0x59: {  	_ =	shalt  }
0x5a: {  	_ =	shalt  }
0x5b: {  	_ =	shalt  }
0x5c: {  	_ =	shalt  }
0x5d: {  	_ =	shalt  }
0x5e: {  	_ =	shalt  }
0x5f: {  	_ =	shalt  }
0x60: {  	_ =	shalt  }
0x61: {  	_ =	shalt  }
0x62: {  	_ =	shalt  }
0x63: {  	_ =	shalt  }
0x64: {  	_ =	shalt  }
0x65: {  	_ =	shalt  }
0x66: {  	_ =	shalt  }
0x67: {  	_ =	shalt  }
0x68: {  	_ =	shalt  }
0x69: {  	_ =	shalt  }
0x6a: {  	_ =	shalt  }
0x6b: {  	_ =	shalt  }
0x6c: {  	_ =	shalt  }
0x6d: {  	_ =	shalt  }
0x6e: {  	_ =	shalt  }
0x6f: {  	_ =	shalt  }
0x70: {  	_ =	shalt  }
0x71: {  	_ =	shalt  }
0x72: {  	_ =	shalt  }
0x73: {  	_ =	shalt  }
0x74: {  	_ =	shalt  }
0x75: {  	_ =	shalt  }
0x76: {  	_ =	shalt  }
0x77: {  	_ =	shalt  }
0x78: {  	_ =	shalt  }
0x79: {  	_ =	shalt  }
0x7a: {  	_ =	shalt  }
0x7b: {  	_ =	shalt  }
0x7c: {  	_ =	shalt  }
0x7d: {  	_ =	shalt  }
0x7e: {  	_ =	shalt  }
0x7f: {  	_ =	shalt  }
0x80: {  	_ =	shalt  }
0x81: {  	_ =	shalt  }
0x82: {  	_ =	shalt  }
0x83: {  	_ =	shalt  }
0x84: {  	_ =	shalt  }
0x85: {  	_ =	shalt  }
0x86: {  	_ =	shalt  }
0x87: {  	_ =	shalt  }
.Lfunc_end0:
.L_simem_size_0:
called_computation_lowered:
.L_overlay_start_0:
0x88: {  	s2 =	sld [smem:$0x3FD9]  }
0x89: {  	s3 =	sld [smem:$0x3FFE];
	_ =	sdelay $0x1  }
0x8a: {  	s1 =	srdreg.scid  }
0x8b: {  	s0 =	sand.u32 $0x1, s1  }
0x8c: {  	s16 =	sshll.u32 s0, $0xA;
	s2 =	sadd.s32 s3, s2  }
0x8d: {  	s2 =	sadd.s32 s2, s16  }
0x8e: {  	[smem:$0x3FBA] =	sst s2  }
0x8f: {  	_ = 	snop  }
0x90: {  	(tm) =	ssettm $0x1  }
0x91: {  	s17 =	sld [smem:$0x3FFB];
	_ =	sdelay $0x3  }
0x92: {  	_ =	strace s17  }
0x93: {  	s2 =	sld [smem:$0x3FFC];
	_ =	sdelay $0x3  }
0x94: {  	_ =	strace s2  }
0x95: {  	s2 =	sld [smem:$0x3FFD];
	_ =	sdelay $0x3  }
0x96: {  	_ =	strace s2  }
0x97: {  	_ =	strace $0x8FFFFFFF  }
0x98: {  	s18 =	sld [smem:$0x3FDB];
	_ =	sdelay $0x1  }
0x99: {  	s19 =	simm.s32 $_scs_section_size  }
0x9a: {  	s4 =	simm.s32 $_size__tile_overlayer_lowered;
	s5 =	simm.s32 $_tile_overlayer_lowered  }
0x9b: {  	s22 =	simm.s32 $0x1BFF;
	s21 =	sshll.u32 s5, $0x1;
	s2 =	sadd.s32 s19, s18  }
0x9c: {  	s6 =	simm.s32 $0x0;
	s20 =	sshll.u32 s4, $0x1;
	s4 =	sadd.s32 s21, s2  }
0x9d: {  	[timem:s6], [sflag:s22] =	dma.local [hbm:s4], s20  }
0x9e: {  	_ =	swait.ge [sflag:s22], s20  }
0x9f: {  	s3 =	ssub.s32 $0x0, s20;
	[sflag:s22] =	ssyncset.done $0x0  }
0xa0: {  	[sflag:s22] =	ssyncadd.s32 s3;
	_ =	sdelay $0x1  }
0xa1: {  	s23 =	simm.s32 $0x1B8B  }
0xa2: {  	_ =	swait.ge [sflag:s23], $0x1  }
0xa3: {  	[sflag:s23] =	ssyncset.done $0x0  }
0xa4: {  	s25 =	simm.s32 $0x1B8E;
	s24 =	sld [smem:$0x3FFE];
	[sflag:s23] =	ssyncadd.s32 $0xFFFFFFFF  }
0xa5: {  	s26 =	simm.s32 $execute0_lowered;
	[smem:$0x3FD2] =	sst s25  }
0xa6: {  	s4 =	sshll.u32 s26, $0x1;
	_ =	strace $0x80000046;
	[dreg:$0x1] =	wrdreg $0xFFFFFFFF  }
0xa7: {  	s28 =	simm.s32 $_size_execute0_lowered;
	s2 =	sadd.s32 s2, s4;
	[dreg:$0x0] =	wrdreg $0x0  }
0xa8: {  	s4 =	sshll.u32 s28, $0x1;
	[dreg:$0x2] =	wrdreg s2  }
0xa9: {  	[dreg:$0x3] =	wrdreg s4  }
0xaa: {  	[dreg:$0x4] =	wrdreg $0xC0  }
0xab: {  	_ =	task [dreg:s6], $0x5FFFF  }
0xac: {  	[dreg:$0x1] =	wrdreg $0xFFFFFFFF  }
0xad: {  	[dreg:$0x0] =	wrdreg $0x60  }
0xae: {  	[dreg:$0x2] =	wrdreg s24  }
0xaf: {  	[dreg:$0x3] =	wrdreg $0x94000  }
0xb0: {  	[dreg:$0x4] =	wrdreg $0x134000  }
0xb1: {  	[dreg:$0x5] =	wrdreg $0x9  }
0xb2: {  	_ =	task.clear_ibuf [dreg:s6], $0x6FFFF;
	_ =	strace $0x90000046  }
0xb3: {  	s29 =	simm.s32 $0x9;
	_ =	strace $0x80000048  }
0xb4: {  	_ =	swait.ge [sflag:s29], $0x1  }
0xb5: {  	[sflag:s29] =	ssyncadd.s32 $0xFFFFFFFF  }
0xb6: {  	_ =	strace $0x90000048  }
0xb7: {  	_ =	sfence  }
0xb8: {  	s30 =	sld [smem:$0x0];
	_ =	sdelay $0x2  }
0xb9: {  	s31 =	sshll.u32 s1, $0xD;
	s1 =	sshrl.u32 s1, $0x2  }
0xba: {  	s3 =	sand.u32 $0x4000, s31;
	s1 =	sadd.s32 s1, s30  }
0xbb: {  	s0 =	sor.u32 s3, s0;
	s1 =	sshll.u32 s1, $0x11  }
0xbc: {  	s0 =	sor.u32 s1, s0  }
0xbd: {  	s0 =	sadd.s32 $0x8F2B, s0  }
0xbe: {  	[sflag:s0] =	ssyncadd.remote.s32 $0x1  }
0xbf: {  	_ =	sfence.sel $0xFFFF  }
0xc0: {  	[dreg:$0x0] =	wrdreg $0xFFFFFFFF;
	(pc) =	sbr.abs _section_cstart, $3  }
0xc1: {  	[dreg:$0x1] =	wrdreg $0xFFFFFFFF  }
0xc2: {  	_ =	task.clear_ibuf [dreg:s6], $0x2FFFF;
	_ =	strace $0x9FFFFFFF  }
0xc3: {  	(tm) =	ssettm $0x7FFFFFFF  }
tec
execute0_lowered:
.L_overlay_start_1:
0x0: {  	(tag) =	ssettag $0x1  }
0x1: {  	s7 =	rddreg [dreg:$0x0]  }
0x2: {  	s2 =	rddreg [dreg:$0x1]  }
0x3: {  	s3 =	rddreg [dreg:$0x2]  }
0x4: {  	s0 =	rddreg [dreg:$0x3]  }
0x5: {  	s1 =	stileid.u32;
	s5 =	srdreg.scid  }
0x6: {  	s4 =	simm.s32 $0x0;
	s20 =	simm.s32 $0x80;
	s6 =	smul.u32 $0x34, s1  }
0x7: {  	s21 =	simm.s32 $0x6C00;
	s8 =	sand.u32 $0x1, s5;
	s5 =	smul.u32 $0x6C, s1  }
0x8: {  	s22 =	simm.s32 $0x1;
	s23 =	simm.s32 $0x0;
	s9 =	smul.u32 $0xA000, s1  }
0x9: {  	[smem:$0x7FF] =	sst s4;
	s10 =	smul.u32 $0x2800, s1;
	s17 =	sshll.u32 s1, $0x6  }
0xa: {  	p0 =	seq.s32 s8, $0x0;
	_ =	strace $0x80000047;
	s31 =	smul.u32 $0xA0000, s8  }
0xb: {  	s14 =	smul.u32 $0x28000, s8;
	s8 =	ssub.s32 $0x2, s8;
	s6 =	sadd.s32 $0x6C0, s6  }
0xc: {  	s11 =	sshrl.u32 s9, $0x3;
	s13 =	sshrl.u32 s10, $0x3;
	s16 =	sshrl.u32 s8, $0x1  }
0xd: {  	s18 =	sadd.s32 s9, s2;
	s19 =	sadd.s32 s10, s3;
	s6 =	smov.u32 @p0 s5  }
0xe: {  	s5 =	sadd.s32 $0x2200, s7;
	s11 =	sadd.s32 s11, s7;
	s13 =	sadd.s32 s13, s7  }
0xf: {  	s15 =	sadd.s32 s9, s31;
	s14 =	sadd.s32 s10, s14;
	s16 =	ssub.s32 s8, s16  }
0x10: {  	s9 =	sor.u32 $0x1C02, s17;
	s17 =	simm.s32 $0x2;
	s6 =	sshll.u32 s6, $0x4  }
0x11: {  	s15 =	sshrl.u32 s15, $0x3;
	s14 =	sshrl.u32 s14, $0x3;
	s8 =	sadd.s32 $0x2A200, s11  }
0x12: {  	s10 =	sadd.s32 $0x3E200, s13;
	s12 =	sadd.s32 s6, s7;
	s6 =	sadd.s32 $0x43200, s7  }
0x13: {  	s15 =	sadd.s32 s15, s7;
	s14 =	sadd.s32 s14, s7;
	s7 =	simm.s32 $0x6C  }
0x14: {  	s7 =	simm.s32 @!p0 $0x34;
	s11 =	sadd.s32 $0x20200, s12;
	s12 =	sadd.s32 $0x16200, s12  }
0x15: {  	s13 =	sadd.s32 $0x4D400, s15;
	s14 =	sadd.s32 $0x43400, s14;
	s15 =	smax.u32 s16, $0x1  }
0x16: {  	s16 =	sshrl.u32 s18, $0x3;
	s18 =	sshrl.u32 s19, $0x3;
	s19 =	simm.s32 $0x8C00  }
.LBB2_1:
0x17: {  	[spmem:s16], [sflag:s9] =	dma.local [hbm:s8], $0x1400  }
0x18: {  	_ =	swait.ge [sflag:s17], $0x1400  }
0x19: {  	[sflag:s17] =	ssyncset.done $0x0  }
0x1a: {  	[sflag:s17] =	ssyncadd.s32 $0xFFFFEC00  }
0x1b: {  	[spmem:s18], [sflag:s9] =	dma.local [hbm:s10], $0x500  }
0x1c: {  	_ =	swait.ge [sflag:s17], $0x500  }
0x1d: {  	[sflag:s17] =	ssyncset.done $0x0  }
0x1e: {  	[sflag:s17] =	ssyncadd.s32 $0xFFFFFB00  }
0x1f: {  	[tilespmem:s19], [sflag:$0x2] =	stream.linear.gather [hbm4b:s6+s4], $0x800, $0x38;
	[tilespmem:$0x15C00] =	vst v63  }
0x20: {  	_ =	swait.ge [sflag:s17], $0x800  }
0x21: {  	[sflag:s17] =	ssyncset.done $0x0  }
0x22: {  	[sflag:s17] =	ssyncadd.s32 $0xFFFFF800  }
0x23: {  	[tilespmem:s4], [sflag:$0x2] =	stream.linear.gather [hbm4b:s11+s4], $0x3600, $0x38;
	[tilespmem:$0x15C00] =	vst v63  }
0x24: {  	_ =	swait.ge [sflag:s17], $0x3600  }
0x25: {  	[sflag:s17] =	ssyncset.done $0x0  }
0x26: {  	s24 =	simm.s32 $0x3600;
	[sflag:s17] =	ssyncadd.s32 $0xFFFFCA00  }
0x27: {  	[tilespmem:s24], [sflag:$0x2] =	stream.linear.gather [hbm4b:s12+s4], $0x3600, $0x38;
	[tilespmem:$0x15C00] =	vst v63  }
0x28: {  	_ =	swait.ge [sflag:s17], $0x3600  }
0x29: {  	[sflag:s17] =	ssyncset.done $0x0  }
0x2a: {  	[sflag:s17] =	ssyncadd.s32 $0xFFFFCA00  }
0x2b: {  	[bflag:$0x0] =	sbarrier.arrive $0xFFFF  }
0x2c: {  	[tilespmem:s21], [sflag:$0x1] =	stream.indirect.gather [hbm4b:s5+s20], $0x40, s4, s20, $0xb8;
	[tilespmem:$0x15C00] =	vst v63  }
0x2d: {  	_ =	swait.ge [sflag:s22], $0x2000  }
0x2e: {  	[sflag:s22] =	ssyncset.done $0x0  }
0x2f: {  	[sflag:s22] =	ssyncadd.s32 $0xFFFFE000  }
0x30: {  	[spmem:s2] =	stream.indirect.scatter.add.f32 [tilespmem:s21], [sflag:$0x2], $0x40, s24, s20, $0xb8;
	[tilespmem:$0x15C00] =	vst v63  }
0x31: {  	p0 =	sne.s32 s7, $0x1;
	_ =	swait.ge [sflag:s17], $0x2000  }
.Ltmp0:
0x32: {  	[sflag:s17] =	ssyncset.done $0x0;
	(pc) =	sbr.rel @!p0 .LBB2_3-.Ltmp0, $4  }
0x33: {  	[sflag:s17] =	ssyncadd.s32 $0xFFFFE000  }
0x34: {  	[spmem:s3] =	stream.indirect.scatter.add.f32 [tilespmem:s19], [sflag:$0x2], $0x10, s24, s20, $0xb8;
	[tilespmem:$0x15C00] =	vst v63  }
0x35: {  	_ =	swait.ge [sflag:s17], $0x800  }
0x36: {  	s25 =	sadd.s32 $0xFFFFFFFF, s7;
	s26 =	simm.s32 $0x0;
	[sflag:s17] =	ssyncset.done $0x0  }
.LBB2_2:
0x37: {  	[sflag:s17] =	ssyncadd.s32 $0xFFFFF800;
	s26 =	sadd.s32 $0x80, s26;
	s24 =	sadd.s32 $0x80, s24  }
0x38: {  	[tilespmem:s21], [sflag:$0x1] =	stream.indirect.gather [hbm4b:s5+s20], $0x40, s26, s20, $0xb8;
	[tilespmem:$0x15C00] =	vst v63  }
0x39: {  	p0 =	sne.s32 s25, $0x1;
	s25 =	sadd.s32 $0xFFFFFFFF, s25;
	_ =	swait.ge [sflag:s22], $0x2000  }
0x3a: {  	[sflag:s22] =	ssyncset.done $0x0  }
0x3b: {  	[sflag:s22] =	ssyncadd.s32 $0xFFFFE000  }
0x3c: {  	[spmem:s2] =	stream.indirect.scatter.add.f32 [tilespmem:s21], [sflag:$0x2], $0x40, s24, s20, $0xb8;
	[tilespmem:$0x15C00] =	vst v63  }
0x3d: {  	_ =	swait.ge [sflag:s17], $0x2000  }
.Ltmp1:
0x3e: {  	[sflag:s17] =	ssyncset.done $0x0;
	(pc) =	sbr.rel @p0 .LBB2_2-.Ltmp1, $4  }
0x3f: {  	[sflag:s17] =	ssyncadd.s32 $0xFFFFE000  }
0x40: {  	[spmem:s3] =	stream.indirect.scatter.add.f32 [tilespmem:s19], [sflag:$0x2], $0x10, s24, s20, $0xb8;
	[tilespmem:$0x15C00] =	vst v63  }
0x41: {  	_ =	swait.ge [sflag:s17], $0x800  }
0x42: {  	[sflag:s17] =	ssyncset.done $0x0  }
.LBB2_3:
0x43: {  	[sflag:s17] =	ssyncadd.s32 $0xFFFFF800  }
0x44: {  	[bflag:$0x0] =	sbarrier.arrive $0xFFFF  }
0x45: {  	[hbm:s13], [sflag:s9] =	dma.local [spmem:s16], $0x1400  }
0x46: {  	s23 =	sadd.s32 $0x1, s23;
	_ =	swait.ge [sflag:s17], $0x1400  }
0x47: {  	p0 =	sne.s32 s23, s15;
	[sflag:s17] =	ssyncset.done $0x0  }
.Ltmp2:
0x48: {  	[sflag:s17] =	ssyncadd.s32 $0xFFFFEC00;
	(pc) =	sbr.rel @p0 .LBB2_1-.Ltmp2, $4  }
0x49: {  	[hbm:s14], [sflag:s9] =	dma.local [spmem:s18], $0x500  }
0x4a: {  	_ =	swait.ge [sflag:s17], $0x500  }
0x4b: {  	[sflag:s17] =	ssyncset.done $0x0  }
0x4c: {  	[sflag:s17] =	ssyncadd.s32 $0xFFFFFB00  }
0x4d: {  	_ =	sfence.sel $0x180000  }
0x4e: {  	[bflag:$0x0] =	sbarrier.arrive $0xFFFF  }
0x4f: {  	p0 =	sne.s32 s1, $0x0;
	_ =	strace $0x90000047  }
0x50: {  	s0 =	sadd.s32 @!p0 $0x100000, s0;
	[bflag:$0x2] =	sbarrier.arrive $0xFFFF  }
0x51: {  	[sflag:s0] =	ssyncadd.tile.s32 @!p0 $0x1;
	_ =	shalt  }
.Lfunc_end2:
_tile_overlayer_lowered:
.L_overlay_start_2:
0x52: {  	(tag) =	ssettag $0x2  }
0x53: {  	s0 =	rddreg [dreg:$0x0];
	s2 =	stileid.u32  }
0x54: {  	s1 =	rddreg [dreg:$0x1];
	p0 =	sne.s32 s2, $0x0  }
0x55: {  	s3 =	rddreg [dreg:$0x2];
	[bflag:$0x3] =	sbarrier.arrive $0xFFFF;
	s2 =	simm.s32 @!p0 $0x1C02  }
0x56: {  	[timem:s3], [sflag:s2] =	dma.local @!p0 [hbm:s0], s1  }
0x57: {  	s0 =	simm.s32 @!p0 $0x2  }
0x58: {  	_ =	swait.ge @!p0 [sflag:s0], s1  }
0x59: {  	s1 =	ssub.s32 @!p0 $0x0, s1;
	[sflag:s0] =	ssyncset.done @!p0 $0x0  }
0x5a: {  	[sflag:s0] =	ssyncadd.s32 @!p0 s1  }
0x5b: {  	[bflag:$0x3] =	sbarrier.arrive $0xFFFF  }
0x5c: {  	_ =	shalt  }

</sc_bundles>
